<compile_context>
chip_gen: v7x
topology: tpu7x:2x2x1
jax: 0.10.2.dev20260603
libtpu: 0.0.44.dev20260713+nightly
codegen_flags: <defaults>
</compile_context>

<pallas_src>
import dataclasses

import jax
import jax.numpy as jnp
from jax.experimental import pallas as pl
from jax.experimental.pallas import tpu as pltpu
from jax.experimental.pallas import tpu_sc as plsc

B = 1024
SEQ = 77
CTX_DIM = 512
N_CTX = 4
KEEP = SEQ - N_CTX

NUM_CORES = 2
NUM_SUBCORES = 16
NUM_WORKERS = NUM_CORES * NUM_SUBCORES
BATCH_PER_W = B // NUM_WORKERS
NBUF = 2


def _sc_body(txt_hbm, ctx_hbm, table_hbm, out_hbm,
             idx_v, ctx_v, gbuf0, gbuf1, sidx, cidx,
             gsem0, gsem1, wsem0, wsem1, csem):
    wid = jax.lax.axis_index("s") * NUM_CORES + jax.lax.axis_index("c")
    base = wid * BATCH_PER_W

    gbufs = (gbuf0, gbuf1)
    gsems = (gsem0, gsem1)
    wsems = (wsem0, wsem1)

    pltpu.sync_copy(txt_hbm.at[pl.ds(base, BATCH_PER_W)], idx_v)
    pltpu.sync_copy(ctx_hbm, ctx_v)

    lane = jax.lax.iota(jnp.int32, 16)
    for c in range(KEEP // 16):
        sidx.at[pl.ds(16 * c, 16)][...] = lane + (N_CTX + 16 * c)
    tail = (KEEP // 16) * 16
    plsc.store_scatter(sidx, [lane + tail], lane + (N_CTX + tail),
                       mask=lane < (KEEP - tail))
    plsc.store_scatter(cidx, [lane], lane, mask=lane < N_CTX)

    def gather_copy(j, b):
        return pltpu.make_async_copy(
            table_hbm.at[idx_v.at[j, pl.ds(0, KEEP)]],
            gbufs[b],
            gsems[b])

    def scatter_copy(j, b):
        return pltpu.make_async_copy(
            gbufs[b],
            out_hbm.at[base + j].at[sidx],
            wsems[b])

    def ctx_copy(j):
        return pltpu.make_async_copy(
            ctx_v,
            out_hbm.at[base + j].at[cidx],
            csem)

    gather_copy(0, 0).start()
    gather_copy(1, 1).start()

    def step(j, b, refire):
        ctx_copy(j).start()
        gather_copy(j, b).wait()
        scatter_copy(j, b).start()
        scatter_copy(j, b).wait()
        if refire:
            gather_copy(j + NBUF, b).start()
        ctx_copy(j).wait()

    @pl.loop(0, BATCH_PER_W // NBUF - 1)
    def _(g):
        for b in range(NBUF):
            step(NBUF * g + b, b, refire=True)

    for b in range(NBUF):
        step(BATCH_PER_W - NBUF + b, b, refire=False)


@jax.jit
def _prompt_gather(text, ctx, table):
    cp = pltpu.CompilerParams()
    if "needs_layout_passes" in pltpu.CompilerParams.__dataclass_fields__:
        cp = dataclasses.replace(cp, needs_layout_passes=False)
    grid_kernel = pl.kernel(
        _sc_body,
        compiler_params=cp,
        out_type=jax.ShapeDtypeStruct((B, SEQ, CTX_DIM), jnp.float32),
        mesh=plsc.VectorSubcoreMesh(core_axis_name="c", subcore_axis_name="s"),
        scratch_types=[
            pltpu.VMEM((BATCH_PER_W, SEQ), jnp.int32),
            pltpu.VMEM((N_CTX, CTX_DIM), jnp.float32),
            pltpu.VMEM((KEEP, CTX_DIM), jnp.float32),
            pltpu.VMEM((KEEP, CTX_DIM), jnp.float32),
            pltpu.VMEM((KEEP,), jnp.int32),
            pltpu.VMEM((N_CTX,), jnp.int32),
            pltpu.SemaphoreType.DMA,
            pltpu.SemaphoreType.DMA,
            pltpu.SemaphoreType.DMA,
            pltpu.SemaphoreType.DMA,
            pltpu.SemaphoreType.DMA,
        ],
    )
    return grid_kernel(text, ctx, table)


def kernel(text, ctx, token_embedding):
    return _prompt_gather(text, ctx, token_embedding)

# --- scband reference (transcript-rebuilt; emitter-appended) ---
"""Pipeline reference for scband-prompt-learner-31550829756643 (READ-ONLY COPY).

The authoritative reference and input builder live on the scoring server;
editing this copy changes nothing except your own understanding.
"""

import jax, jax.numpy as jnp
import numpy as np

B = 1024
SEQ = 77
VOCAB = 49408
CTX_DIM = 512
N_CTX = 4


def setup_inputs(seed: int = 0) -> dict:
    key = jax.random.key(seed)
    k1, k2, k3 = jax.random.split(key, 3)
    # forward arg per input_specs (int64 spec; int32 used for CPU jax default-x64-off compatibility)
    text = jax.random.randint(k1, (B, SEQ), 0, VOCAB, dtype=jnp.int32)
    # learned parameters sized per init_kwargs (mock clip_model config)
    token_embedding = jax.random.normal(k2, (VOCAB, CTX_DIM), dtype=jnp.float32) * 0.02
    ctx = jax.random.normal(k3, (N_CTX, CTX_DIM), dtype=jnp.float32) * 0.02
    return {"text": text, "ctx": ctx, "token_embedding": token_embedding}


def reference(text, ctx, token_embedding):
    # tokens = clip_model.token_embedding(text.long())  (frozen, no_grad)
    tokens = jnp.take(token_embedding, text, axis=0)  # [B, 77, ctx_dim]
    n_ctx = ctx.shape[0]
    Bq = text.shape[0]
    # ctx.unsqueeze(0).expand(B, -1, -1)
    ctx_b = jnp.broadcast_to(ctx[None, :, :], (Bq, n_ctx, ctx.shape[1]))
    # prompts = cat([ctx, tokens[:, 0:77 - n_ctx, :]], dim=1)
    prompts = jnp.concatenate([ctx_b, tokens[:, : SEQ - n_ctx, :]], axis=1)
    return prompts

if __name__ == "__main__":
    import jax
    _d = setup_inputs()
    print(jax.jit(kernel)(*tuple(_d.values())))

</pallas_src>

<mosaic_0001>
#map = affine_map<(d0, d1) -> (0, 0)>
#map1 = affine_map<(d0, d1) -> (0, 0, 0)>
module attributes {stable_mosaic.version = 14 : i64} {
  func.func @_sc_body(%arg0: i32, %arg1: i32, %arg2: memref<1024x77xi32, #tpu.memory_space<hbm>>, %arg3: memref<4x512xf32, #tpu.memory_space<hbm>>, %arg4: memref<49408x512xf32, #tpu.memory_space<hbm>>, %arg5: memref<1024x77x512xf32, #tpu.memory_space<hbm>>, %arg6: memref<32x77xi32, #tpu.memory_space<vmem>>, %arg7: memref<4x512xf32, #tpu.memory_space<vmem>>, %arg8: memref<73x512xf32, #tpu.memory_space<vmem>>, %arg9: memref<73x512xf32, #tpu.memory_space<vmem>>, %arg10: memref<73xi32, #tpu.memory_space<vmem>>, %arg11: memref<4xi32, #tpu.memory_space<vmem>>, %arg12: memref<!tpu.dma_semaphore, #tpu.memory_space<semaphore_mem>>, %arg13: memref<!tpu.dma_semaphore, #tpu.memory_space<semaphore_mem>>, %arg14: memref<!tpu.dma_semaphore, #tpu.memory_space<semaphore_mem>>, %arg15: memref<!tpu.dma_semaphore, #tpu.memory_space<semaphore_mem>>, %arg16: memref<!tpu.dma_semaphore, #tpu.memory_space<semaphore_mem>>) attributes {dimension_semantics = [#tpu.dimension_semantics<core_parallel>, #tpu.dimension_semantics<subcore_parallel>], iteration_bounds = array<i64: 2, 16>, scalar_prefetch = 0 : i64, scratch_operands = 11 : i64, tpu.core_type = #tpu.core_type<sc_vector_subcore>, window_params = [{transform_indices = #map}, {transform_indices = #map}, {transform_indices = #map}, {transform_indices = #map1}]} {
    %mul3A = arith.constant 2 : i32
    %mul3A_0 = arith.muli %arg1, %mul3A : i32
    %add3A = arith.addi %mul3A_0, %arg0 : i32
    %mul3A_1 = arith.constant 32 : i32
    %mul3A_2 = arith.muli %add3A, %mul3A_1 : i32
    "tpu.region"() ({
      %run_scoped3A = tpu.sem_alloc : memref<!tpu.dma_semaphore, #tpu.memory_space<semaphore_mem>>
      %dma_start3A_135 = arith.constant 0 : i32
      %dma_start3A_136 = tpu.memref_slice %arg2[%mul3A_2, %dma_start3A_135] : memref<1024x77xi32, #tpu.memory_space<hbm>> -> memref<32x77xi32, #tpu.memory_space<hbm>>
      %dma_start3A_137 = arith.constant 0 : i32
      %dma_start3A_138 = tpu.memref_slice %arg2[%mul3A_2, %dma_start3A_137] : memref<1024x77xi32, #tpu.memory_space<hbm>> -> memref<32x77xi32, #tpu.memory_space<hbm>>
      tpu.enqueue_dma source(%dma_start3A_138 : memref<32x77xi32, #tpu.memory_space<hbm>>) target(%arg6 : memref<32x77xi32, #tpu.memory_space<vmem>>) target_semaphore(%run_scoped3A : memref<!tpu.dma_semaphore, #tpu.memory_space<semaphore_mem>>)
      %dma_wait3A_139 = arith.constant 0 : i32
      %dma_wait3A_140 = tpu.memref_slice %arg2[%mul3A_2, %dma_wait3A_139] : memref<1024x77xi32, #tpu.memory_space<hbm>> -> memref<32x77xi32, #tpu.memory_space<hbm>>
      %dma_wait3A_141 = arith.constant 0 : i32
      %dma_wait3A_142 = tpu.memref_slice %arg2[%mul3A_2, %dma_wait3A_141] : memref<1024x77xi32, #tpu.memory_space<hbm>> -> memref<32x77xi32, #tpu.memory_space<hbm>>
      tpu.wait_dma2 semaphore(%run_scoped3A : memref<!tpu.dma_semaphore, #tpu.memory_space<semaphore_mem>>) src(%dma_wait3A_142 : memref<32x77xi32, #tpu.memory_space<hbm>>) dst(%arg6 : memref<32x77xi32, #tpu.memory_space<vmem>>)
      tpu.yield
    }) : () -> ()
    "tpu.region"() ({
      %run_scoped3A = tpu.sem_alloc : memref<!tpu.dma_semaphore, #tpu.memory_space<semaphore_mem>>
      tpu.enqueue_dma source(%arg3 : memref<4x512xf32, #tpu.memory_space<hbm>>) target(%arg7 : memref<4x512xf32, #tpu.memory_space<vmem>>) target_semaphore(%run_scoped3A : memref<!tpu.dma_semaphore, #tpu.memory_space<semaphore_mem>>)
      tpu.wait_dma2 semaphore(%run_scoped3A : memref<!tpu.dma_semaphore, #tpu.memory_space<semaphore_mem>>) src(%arg3 : memref<4x512xf32, #tpu.memory_space<hbm>>) dst(%arg7 : memref<4x512xf32, #tpu.memory_space<vmem>>)
      tpu.yield
    }) : () -> ()
    %iota3A = tpu.iota {dimensions = array<i32: 0>} : vector<16xi32>
    %add3A_3 = arith.constant 4 : i32
    %add3A_4 = vector.broadcast %add3A_3 : i32 to vector<16xi32>
    %add3A_5 = arith.addi %iota3A, %add3A_4 : vector<16xi32>
    %swap3A = arith.constant 0 : index
    %swap3A_6 = tpu.vector_load %arg10[%swap3A] {strides = array<i32>} : memref<73xi32, #tpu.memory_space<vmem>>, vector<16xi32>,
    tpu.vector_store %arg10[%swap3A], %add3A_5 {strides = array<i32>} : memref<73xi32, #tpu.memory_space<vmem>>, vector<16xi32>,
    %add3A_7 = arith.constant 20 : i32
    %add3A_8 = vector.broadcast %add3A_7 : i32 to vector<16xi32>
    %add3A_9 = arith.addi %iota3A, %add3A_8 : vector<16xi32>
    %swap3A_10 = arith.constant 16 : index
    %swap3A_11 = tpu.vector_load %arg10[%swap3A_10] {strides = array<i32>} : memref<73xi32, #tpu.memory_space<vmem>>, vector<16xi32>,
    tpu.vector_store %arg10[%swap3A_10], %add3A_9 {strides = array<i32>} : memref<73xi32, #tpu.memory_space<vmem>>, vector<16xi32>,
    %add3A_12 = arith.constant 36 : i32
    %add3A_13 = vector.broadcast %add3A_12 : i32 to vector<16xi32>
    %add3A_14 = arith.addi %iota3A, %add3A_13 : vector<16xi32>
    %swap3A_15 = arith.constant 32 : index
    %swap3A_16 = tpu.vector_load %arg10[%swap3A_15] {strides = array<i32>} : memref<73xi32, #tpu.memory_space<vmem>>, vector<16xi32>,
    tpu.vector_store %arg10[%swap3A_15], %add3A_14 {strides = array<i32>} : memref<73xi32, #tpu.memory_space<vmem>>, vector<16xi32>,
    %add3A_17 = arith.constant 52 : i32
    %add3A_18 = vector.broadcast %add3A_17 : i32 to vector<16xi32>
    %add3A_19 = arith.addi %iota3A, %add3A_18 : vector<16xi32>
    %swap3A_20 = arith.constant 48 : index
    %swap3A_21 = tpu.vector_load %arg10[%swap3A_20] {strides = array<i32>} : memref<73xi32, #tpu.memory_space<vmem>>, vector<16xi32>,
    tpu.vector_store %arg10[%swap3A_20], %add3A_19 {strides = array<i32>} : memref<73xi32, #tpu.memory_space<vmem>>, vector<16xi32>,
    %add3A_22 = arith.constant 64 : i32
    %add3A_23 = vector.broadcast %add3A_22 : i32 to vector<16xi32>
    %add3A_24 = arith.addi %iota3A, %add3A_23 : vector<16xi32>
    %add3A_25 = arith.constant 68 : i32
    %add3A_26 = vector.broadcast %add3A_25 : i32 to vector<16xi32>
    %add3A_27 = arith.addi %iota3A, %add3A_26 : vector<16xi32>
    %lt3A = arith.constant 9 : i32
    %lt3A_28 = vector.broadcast %lt3A : i32 to vector<16xi32>
    %lt3A_29 = arith.cmpi slt, %iota3A, %lt3A_28 : vector<16xi32>
    tpu.vector_store_idx %arg10[%add3A_24], %add3A_27 masked %lt3A_29 : memref<73xi32, #tpu.memory_space<vmem>>[vector<16xi32>], vector<16xi32>, vector<16xi1>
    %lt3A_30 = arith.constant 4 : i32
    %lt3A_31 = vector.broadcast %lt3A_30 : i32 to vector<16xi32>
    %lt3A_32 = arith.cmpi slt, %iota3A, %lt3A_31 : vector<16xi32>
    tpu.vector_store_idx %arg11[%iota3A], %iota3A masked %lt3A_32 : memref<4xi32, #tpu.memory_space<vmem>>[vector<16xi32>], vector<16xi32>, vector<16xi1>
    %dma_start3A = arith.constant 0 : i32
    %dma_start3A_33 = arith.constant 0 : i32
    %dma_start3A_34 = tpu.memref_slice %arg6[%dma_start3A, %dma_start3A_33] : memref<32x77xi32, #tpu.memory_space<vmem>> -> memref<1x73xi32, #tpu.memory_space<vmem>>
    %dma_start3A_35 = tpu.memref_squeeze %dma_start3A_34 : memref<1x73xi32, #tpu.memory_space<vmem>> -> memref<73xi32, #tpu.memory_space<vmem>>
    %dma_start3A_36 = arith.constant 0 : i32
    %dma_start3A_37 = arith.constant 0 : i32
    %dma_start3A_38 = tpu.memref_slice %arg4[%dma_start3A_36, %dma_start3A_37] : memref<49408x512xf32, #tpu.memory_space<hbm>> -> memref<49408x512xf32, #tpu.memory_space<hbm>>
    tpu.enqueue_indirect_dma source(%dma_start3A_38 : memref<49408x512xf32, #tpu.memory_space<hbm>>) target(%arg8 : memref<73x512xf32, #tpu.memory_space<vmem>>) offsets(%dma_start3A_35 : memref<73xi32, #tpu.memory_space<vmem>>) semaphore(%arg12 : memref<!tpu.dma_semaphore, #tpu.memory_space<semaphore_mem>>)
    %dma_start3A_39 = arith.constant 1 : i32
    %dma_start3A_40 = arith.constant 0 : i32
    %dma_start3A_41 = tpu.memref_slice %arg6[%dma_start3A_39, %dma_start3A_40] : memref<32x77xi32, #tpu.memory_space<vmem>> -> memref<1x73xi32, #tpu.memory_space<vmem>>
    %dma_start3A_42 = tpu.memref_squeeze %dma_start3A_41 : memref<1x73xi32, #tpu.memory_space<vmem>> -> memref<73xi32, #tpu.memory_space<vmem>>
    %dma_start3A_43 = arith.constant 0 : i32
    %dma_start3A_44 = arith.constant 0 : i32
    %dma_start3A_45 = tpu.memref_slice %arg4[%dma_start3A_43, %dma_start3A_44] : memref<49408x512xf32, #tpu.memory_space<hbm>> -> memref<49408x512xf32, #tpu.memory_space<hbm>>
    tpu.enqueue_indirect_dma source(%dma_start3A_45 : memref<49408x512xf32, #tpu.memory_space<hbm>>) target(%arg9 : memref<73x512xf32, #tpu.memory_space<vmem>>) offsets(%dma_start3A_42 : memref<73xi32, #tpu.memory_space<vmem>>) semaphore(%arg13 : memref<!tpu.dma_semaphore, #tpu.memory_space<semaphore_mem>>)
    %scan3A = arith.constant 0 : i32
    %scan3A_46 = arith.constant 15 : i32
    %scan3A_47 = arith.addi %scan3A, %scan3A_46 : i32
    %scan3A_48 = arith.constant 1 : i32
    scf.for %scan3A_135 = %scan3A to %scan3A_47 step %scan3A_48  : i32 {
      %mul3A_136 = arith.constant 1 : i32
      %mul3A_137 = arith.muli %scan3A_135, %mul3A_136 : i32
      %add3A_138 = arith.constant 0 : i32
      %add3A_139 = arith.addi %add3A_138, %mul3A_137 : i32
      %mul3A_140 = arith.constant 2 : i32
      %mul3A_141 = arith.muli %mul3A_140, %add3A_139 : i32
      %add3A_142 = arith.constant 0 : i32
      %add3A_143 = arith.addi %mul3A_141, %add3A_142 : i32
      %add3A_144 = arith.addi %mul3A_2, %add3A_143 : i32
      %dma_start3A_145 = arith.constant 0 : i32
      %dma_start3A_146 = arith.constant 0 : i32
      %dma_start3A_147 = tpu.memref_slice %arg5[%add3A_144, %dma_start3A_145, %dma_start3A_146] : memref<1024x77x512xf32, #tpu.memory_space<hbm>> -> memref<1x77x512xf32, #tpu.memory_space<hbm>>
      %dma_start3A_148 = tpu.memref_squeeze %dma_start3A_147 : memref<1x77x512xf32, #tpu.memory_space<hbm>> -> memref<77x512xf32, #tpu.memory_space<hbm>>
      %dma_start3A_149 = arith.constant 0 : i32
      %dma_start3A_150 = arith.constant 0 : i32
      %dma_start3A_151 = tpu.memref_slice %dma_start3A_148[%dma_start3A_149, %dma_start3A_150] : memref<77x512xf32, #tpu.memory_space<hbm>> -> memref<77x512xf32, #tpu.memory_space<hbm>>
      tpu.enqueue_indirect_dma source(%arg7 : memref<4x512xf32, #tpu.memory_space<vmem>>) target(%dma_start3A_151 : memref<77x512xf32, #tpu.memory_space<hbm>>) offsets(%arg11 : memref<4xi32, #tpu.memory_space<vmem>>) semaphore(%arg16 : memref<!tpu.dma_semaphore, #tpu.memory_space<semaphore_mem>>)
      %dma_wait3A_152 = arith.constant 0 : i32
      %dma_wait3A_153 = tpu.memref_slice %arg6[%add3A_143, %dma_wait3A_152] : memref<32x77xi32, #tpu.memory_space<vmem>> -> memref<1x73xi32, #tpu.memory_space<vmem>>
      %dma_wait3A_154 = tpu.memref_squeeze %dma_wait3A_153 : memref<1x73xi32, #tpu.memory_space<vmem>> -> memref<73xi32, #tpu.memory_space<vmem>>
      %dma_wait3A_155 = arith.constant 0 : i32
      %dma_wait3A_156 = arith.constant 0 : i32
      %dma_wait3A_157 = tpu.memref_slice %arg4[%dma_wait3A_155, %dma_wait3A_156] : memref<49408x512xf32, #tpu.memory_space<hbm>> -> memref<49408x512xf32, #tpu.memory_space<hbm>>
      tpu.wait_indirect_dma semaphore(%arg12 : memref<!tpu.dma_semaphore, #tpu.memory_space<semaphore_mem>>) src(%dma_wait3A_157 : memref<49408x512xf32, #tpu.memory_space<hbm>>) dst(%arg8 : memref<73x512xf32, #tpu.memory_space<vmem>>)
      %add3A_158 = arith.addi %mul3A_2, %add3A_143 : i32
      %dma_start3A_159 = arith.constant 0 : i32
      %dma_start3A_160 = arith.constant 0 : i32
      %dma_start3A_161 = tpu.memref_slice %arg5[%add3A_158, %dma_start3A_159, %dma_start3A_160] : memref<1024x77x512xf32, #tpu.memory_space<hbm>> -> memref<1x77x512xf32, #tpu.memory_space<hbm>>
      %dma_start3A_162 = tpu.memref_squeeze %dma_start3A_161 : memref<1x77x512xf32, #tpu.memory_space<hbm>> -> memref<77x512xf32, #tpu.memory_space<hbm>>
      %dma_start3A_163 = arith.constant 0 : i32
      %dma_start3A_164 = arith.constant 0 : i32
      %dma_start3A_165 = tpu.memref_slice %dma_start3A_162[%dma_start3A_163, %dma_start3A_164] : memref<77x512xf32, #tpu.memory_space<hbm>> -> memref<77x512xf32, #tpu.memory_space<hbm>>
      tpu.enqueue_indirect_dma source(%arg8 : memref<73x512xf32, #tpu.memory_space<vmem>>) target(%dma_start3A_165 : memref<77x512xf32, #tpu.memory_space<hbm>>) offsets(%arg10 : memref<73xi32, #tpu.memory_space<vmem>>) semaphore(%arg14 : memref<!tpu.dma_semaphore, #tpu.memory_space<semaphore_mem>>)
      %add3A_166 = arith.addi %mul3A_2, %add3A_143 : i32
      %dma_wait3A_167 = arith.constant 0 : i32
      %dma_wait3A_168 = arith.constant 0 : i32
      %dma_wait3A_169 = tpu.memref_slice %arg5[%add3A_166, %dma_wait3A_167, %dma_wait3A_168] : memref<1024x77x512xf32, #tpu.memory_space<hbm>> -> memref<1x77x512xf32, #tpu.memory_space<hbm>>
      %dma_wait3A_170 = tpu.memref_squeeze %dma_wait3A_169 : memref<1x77x512xf32, #tpu.memory_space<hbm>> -> memref<77x512xf32, #tpu.memory_space<hbm>>
      %dma_wait3A_171 = arith.constant 0 : i32
      %dma_wait3A_172 = arith.constant 0 : i32
      %dma_wait3A_173 = tpu.memref_slice %dma_wait3A_170[%dma_wait3A_171, %dma_wait3A_172] : memref<77x512xf32, #tpu.memory_space<hbm>> -> memref<77x512xf32, #tpu.memory_space<hbm>>
      tpu.wait_indirect_dma semaphore(%arg14 : memref<!tpu.dma_semaphore, #tpu.memory_space<semaphore_mem>>) src(%arg8 : memref<73x512xf32, #tpu.memory_space<vmem>>) dst(%dma_wait3A_173 : memref<77x512xf32, #tpu.memory_space<hbm>>)
      %add3A_174 = arith.constant 2 : i32
      %add3A_175 = arith.addi %add3A_143, %add3A_174 : i32
      %dma_start3A_176 = arith.constant 0 : i32
      %dma_start3A_177 = tpu.memref_slice %arg6[%add3A_175, %dma_start3A_176] : memref<32x77xi32, #tpu.memory_space<vmem>> -> memref<1x73xi32, #tpu.memory_space<vmem>>
      %dma_start3A_178 = tpu.memref_squeeze %dma_start3A_177 : memref<1x73xi32, #tpu.memory_space<vmem>> -> memref<73xi32, #tpu.memory_space<vmem>>
      %dma_start3A_179 = arith.constant 0 : i32
      %dma_start3A_180 = arith.constant 0 : i32
      %dma_start3A_181 = tpu.memref_slice %arg4[%dma_start3A_179, %dma_start3A_180] : memref<49408x512xf32, #tpu.memory_space<hbm>> -> memref<49408x512xf32, #tpu.memory_space<hbm>>
      tpu.enqueue_indirect_dma source(%dma_start3A_181 : memref<49408x512xf32, #tpu.memory_space<hbm>>) target(%arg8 : memref<73x512xf32, #tpu.memory_space<vmem>>) offsets(%dma_start3A_178 : memref<73xi32, #tpu.memory_space<vmem>>) semaphore(%arg12 : memref<!tpu.dma_semaphore, #tpu.memory_space<semaphore_mem>>)
      %add3A_182 = arith.addi %mul3A_2, %add3A_143 : i32
      %dma_wait3A_183 = arith.constant 0 : i32
      %dma_wait3A_184 = arith.constant 0 : i32
      %dma_wait3A_185 = tpu.memref_slice %arg5[%add3A_182, %dma_wait3A_183, %dma_wait3A_184] : memref<1024x77x512xf32, #tpu.memory_space<hbm>> -> memref<1x77x512xf32, #tpu.memory_space<hbm>>
      %dma_wait3A_186 = tpu.memref_squeeze %dma_wait3A_185 : memref<1x77x512xf32, #tpu.memory_space<hbm>> -> memref<77x512xf32, #tpu.memory_space<hbm>>
      %dma_wait3A_187 = arith.constant 0 : i32
      %dma_wait3A_188 = arith.constant 0 : i32
      %dma_wait3A_189 = tpu.memref_slice %dma_wait3A_186[%dma_wait3A_187, %dma_wait3A_188] : memref<77x512xf32, #tpu.memory_space<hbm>> -> memref<77x512xf32, #tpu.memory_space<hbm>>
      tpu.wait_indirect_dma semaphore(%arg16 : memref<!tpu.dma_semaphore, #tpu.memory_space<semaphore_mem>>) src(%arg7 : memref<4x512xf32, #tpu.memory_space<vmem>>) dst(%dma_wait3A_189 : memref<77x512xf32, #tpu.memory_space<hbm>>)
      %mul3A_190 = arith.constant 2 : i32
      %mul3A_191 = arith.muli %mul3A_190, %add3A_139 : i32
      %add3A_192 = arith.constant 1 : i32
      %add3A_193 = arith.addi %mul3A_191, %add3A_192 : i32
      %add3A_194 = arith.addi %mul3A_2, %add3A_193 : i32
      %dma_start3A_195 = arith.constant 0 : i32
      %dma_start3A_196 = arith.constant 0 : i32
      %dma_start3A_197 = tpu.memref_slice %arg5[%add3A_194, %dma_start3A_195, %dma_start3A_196] : memref<1024x77x512xf32, #tpu.memory_space<hbm>> -> memref<1x77x512xf32, #tpu.memory_space<hbm>>
      %dma_start3A_198 = tpu.memref_squeeze %dma_start3A_197 : memref<1x77x512xf32, #tpu.memory_space<hbm>> -> memref<77x512xf32, #tpu.memory_space<hbm>>
      %dma_start3A_199 = arith.constant 0 : i32
      %dma_start3A_200 = arith.constant 0 : i32
      %dma_start3A_201 = tpu.memref_slice %dma_start3A_198[%dma_start3A_199, %dma_start3A_200] : memref<77x512xf32, #tpu.memory_space<hbm>> -> memref<77x512xf32, #tpu.memory_space<hbm>>
      tpu.enqueue_indirect_dma source(%arg7 : memref<4x512xf32, #tpu.memory_space<vmem>>) target(%dma_start3A_201 : memref<77x512xf32, #tpu.memory_space<hbm>>) offsets(%arg11 : memref<4xi32, #tpu.memory_space<vmem>>) semaphore(%arg16 : memref<!tpu.dma_semaphore, #tpu.memory_space<semaphore_mem>>)
      %dma_wait3A_202 = arith.constant 0 : i32
      %dma_wait3A_203 = tpu.memref_slice %arg6[%add3A_193, %dma_wait3A_202] : memref<32x77xi32, #tpu.memory_space<vmem>> -> memref<1x73xi32, #tpu.memory_space<vmem>>
      %dma_wait3A_204 = tpu.memref_squeeze %dma_wait3A_203 : memref<1x73xi32, #tpu.memory_space<vmem>> -> memref<73xi32, #tpu.memory_space<vmem>>
      %dma_wait3A_205 = arith.constant 0 : i32
      %dma_wait3A_206 = arith.constant 0 : i32
      %dma_wait3A_207 = tpu.memref_slice %arg4[%dma_wait3A_205, %dma_wait3A_206] : memref<49408x512xf32, #tpu.memory_space<hbm>> -> memref<49408x512xf32, #tpu.memory_space<hbm>>
      tpu.wait_indirect_dma semaphore(%arg13 : memref<!tpu.dma_semaphore, #tpu.memory_space<semaphore_mem>>) src(%dma_wait3A_207 : memref<49408x512xf32, #tpu.memory_space<hbm>>) dst(%arg9 : memref<73x512xf32, #tpu.memory_space<vmem>>)
      %add3A_208 = arith.addi %mul3A_2, %add3A_193 : i32
      %dma_start3A_209 = arith.constant 0 : i32
      %dma_start3A_210 = arith.constant 0 : i32
      %dma_start3A_211 = tpu.memref_slice %arg5[%add3A_208, %dma_start3A_209, %dma_start3A_210] : memref<1024x77x512xf32, #tpu.memory_space<hbm>> -> memref<1x77x512xf32, #tpu.memory_space<hbm>>
      %dma_start3A_212 = tpu.memref_squeeze %dma_start3A_211 : memref<1x77x512xf32, #tpu.memory_space<hbm>> -> memref<77x512xf32, #tpu.memory_space<hbm>>
      %dma_start3A_213 = arith.constant 0 : i32
      %dma_start3A_214 = arith.constant 0 : i32
      %dma_start3A_215 = tpu.memref_slice %dma_start3A_212[%dma_start3A_213, %dma_start3A_214] : memref<77x512xf32, #tpu.memory_space<hbm>> -> memref<77x512xf32, #tpu.memory_space<hbm>>
      tpu.enqueue_indirect_dma source(%arg9 : memref<73x512xf32, #tpu.memory_space<vmem>>) target(%dma_start3A_215 : memref<77x512xf32, #tpu.memory_space<hbm>>) offsets(%arg10 : memref<73xi32, #tpu.memory_space<vmem>>) semaphore(%arg15 : memref<!tpu.dma_semaphore, #tpu.memory_space<semaphore_mem>>)
      %add3A_216 = arith.addi %mul3A_2, %add3A_193 : i32
      %dma_wait3A_217 = arith.constant 0 : i32
      %dma_wait3A_218 = arith.constant 0 : i32
      %dma_wait3A_219 = tpu.memref_slice %arg5[%add3A_216, %dma_wait3A_217, %dma_wait3A_218] : memref<1024x77x512xf32, #tpu.memory_space<hbm>> -> memref<1x77x512xf32, #tpu.memory_space<hbm>>
      %dma_wait3A_220 = tpu.memref_squeeze %dma_wait3A_219 : memref<1x77x512xf32, #tpu.memory_space<hbm>> -> memref<77x512xf32, #tpu.memory_space<hbm>>
      %dma_wait3A_221 = arith.constant 0 : i32
      %dma_wait3A_222 = arith.constant 0 : i32
      %dma_wait3A_223 = tpu.memref_slice %dma_wait3A_220[%dma_wait3A_221, %dma_wait3A_222] : memref<77x512xf32, #tpu.memory_space<hbm>> -> memref<77x512xf32, #tpu.memory_space<hbm>>
      tpu.wait_indirect_dma semaphore(%arg15 : memref<!tpu.dma_semaphore, #tpu.memory_space<semaphore_mem>>) src(%arg9 : memref<73x512xf32, #tpu.memory_space<vmem>>) dst(%dma_wait3A_223 : memref<77x512xf32, #tpu.memory_space<hbm>>)
      %add3A_224 = arith.constant 2 : i32
      %add3A_225 = arith.addi %add3A_193, %add3A_224 : i32
      %dma_start3A_226 = arith.constant 0 : i32
      %dma_start3A_227 = tpu.memref_slice %arg6[%add3A_225, %dma_start3A_226] : memref<32x77xi32, #tpu.memory_space<vmem>> -> memref<1x73xi32, #tpu.memory_space<vmem>>
      %dma_start3A_228 = tpu.memref_squeeze %dma_start3A_227 : memref<1x73xi32, #tpu.memory_space<vmem>> -> memref<73xi32, #tpu.memory_space<vmem>>
      %dma_start3A_229 = arith.constant 0 : i32
      %dma_start3A_230 = arith.constant 0 : i32
      %dma_start3A_231 = tpu.memref_slice %arg4[%dma_start3A_229, %dma_start3A_230] : memref<49408x512xf32, #tpu.memory_space<hbm>> -> memref<49408x512xf32, #tpu.memory_space<hbm>>
      tpu.enqueue_indirect_dma source(%dma_start3A_231 : memref<49408x512xf32, #tpu.memory_space<hbm>>) target(%arg9 : memref<73x512xf32, #tpu.memory_space<vmem>>) offsets(%dma_start3A_228 : memref<73xi32, #tpu.memory_space<vmem>>) semaphore(%arg13 : memref<!tpu.dma_semaphore, #tpu.memory_space<semaphore_mem>>)
      %add3A_232 = arith.addi %mul3A_2, %add3A_193 : i32
      %dma_wait3A_233 = arith.constant 0 : i32
      %dma_wait3A_234 = arith.constant 0 : i32
      %dma_wait3A_235 = tpu.memref_slice %arg5[%add3A_232, %dma_wait3A_233, %dma_wait3A_234] : memref<1024x77x512xf32, #tpu.memory_space<hbm>> -> memref<1x77x512xf32, #tpu.memory_space<hbm>>
      %dma_wait3A_236 = tpu.memref_squeeze %dma_wait3A_235 : memref<1x77x512xf32, #tpu.memory_space<hbm>> -> memref<77x512xf32, #tpu.memory_space<hbm>>
      %dma_wait3A_237 = arith.constant 0 : i32
      %dma_wait3A_238 = arith.constant 0 : i32
      %dma_wait3A_239 = tpu.memref_slice %dma_wait3A_236[%dma_wait3A_237, %dma_wait3A_238] : memref<77x512xf32, #tpu.memory_space<hbm>> -> memref<77x512xf32, #tpu.memory_space<hbm>>
      tpu.wait_indirect_dma semaphore(%arg16 : memref<!tpu.dma_semaphore, #tpu.memory_space<semaphore_mem>>) src(%arg7 : memref<4x512xf32, #tpu.memory_space<vmem>>) dst(%dma_wait3A_239 : memref<77x512xf32, #tpu.memory_space<hbm>>)
    }
    %scan3A_49 = arith.constant 15 : i32
    %add3A_50 = arith.constant 30 : i32
    %add3A_51 = arith.addi %mul3A_2, %add3A_50 : i32
    %dma_start3A_52 = arith.constant 0 : i32
    %dma_start3A_53 = arith.constant 0 : i32
    %dma_start3A_54 = tpu.memref_slice %arg5[%add3A_51, %dma_start3A_52, %dma_start3A_53] : memref<1024x77x512xf32, #tpu.memory_space<hbm>> -> memref<1x77x512xf32, #tpu.memory_space<hbm>>
    %dma_start3A_55 = tpu.memref_squeeze %dma_start3A_54 : memref<1x77x512xf32, #tpu.memory_space<hbm>> -> memref<77x512xf32, #tpu.memory_space<hbm>>
    %dma_start3A_56 = arith.constant 0 : i32
    %dma_start3A_57 = arith.constant 0 : i32
    %dma_start3A_58 = tpu.memref_slice %dma_start3A_55[%dma_start3A_56, %dma_start3A_57] : memref<77x512xf32, #tpu.memory_space<hbm>> -> memref<77x512xf32, #tpu.memory_space<hbm>>
    tpu.enqueue_indirect_dma source(%arg7 : memref<4x512xf32, #tpu.memory_space<vmem>>) target(%dma_start3A_58 : memref<77x512xf32, #tpu.memory_space<hbm>>) offsets(%arg11 : memref<4xi32, #tpu.memory_space<vmem>>) semaphore(%arg16 : memref<!tpu.dma_semaphore, #tpu.memory_space<semaphore_mem>>)
    %dma_wait3A = arith.constant 30 : i32
    %dma_wait3A_59 = arith.constant 0 : i32
    %dma_wait3A_60 = tpu.memref_slice %arg6[%dma_wait3A, %dma_wait3A_59] : memref<32x77xi32, #tpu.memory_space<vmem>> -> memref<1x73xi32, #tpu.memory_space<vmem>>
    %dma_wait3A_61 = tpu.memref_squeeze %dma_wait3A_60 : memref<1x73xi32, #tpu.memory_space<vmem>> -> memref<73xi32, #tpu.memory_space<vmem>>
    %dma_wait3A_62 = arith.constant 0 : i32
    %dma_wait3A_63 = arith.constant 0 : i32
    %dma_wait3A_64 = tpu.memref_slice %arg4[%dma_wait3A_62, %dma_wait3A_63] : memref<49408x512xf32, #tpu.memory_space<hbm>> -> memref<49408x512xf32, #tpu.memory_space<hbm>>
    tpu.wait_indirect_dma semaphore(%arg12 : memref<!tpu.dma_semaphore, #tpu.memory_space<semaphore_mem>>) src(%dma_wait3A_64 : memref<49408x512xf32, #tpu.memory_space<hbm>>) dst(%arg8 : memref<73x512xf32, #tpu.memory_space<vmem>>)
    %add3A_65 = arith.constant 30 : i32
    %add3A_66 = arith.addi %mul3A_2, %add3A_65 : i32
    %dma_start3A_67 = arith.constant 0 : i32
    %dma_start3A_68 = arith.constant 0 : i32
    %dma_start3A_69 = tpu.memref_slice %arg5[%add3A_66, %dma_start3A_67, %dma_start3A_68] : memref<1024x77x512xf32, #tpu.memory_space<hbm>> -> memref<1x77x512xf32, #tpu.memory_space<hbm>>
    %dma_start3A_70 = tpu.memref_squeeze %dma_start3A_69 : memref<1x77x512xf32, #tpu.memory_space<hbm>> -> memref<77x512xf32, #tpu.memory_space<hbm>>
    %dma_start3A_71 = arith.constant 0 : i32
    %dma_start3A_72 = arith.constant 0 : i32
    %dma_start3A_73 = tpu.memref_slice %dma_start3A_70[%dma_start3A_71, %dma_start3A_72] : memref<77x512xf32, #tpu.memory_space<hbm>> -> memref<77x512xf32, #tpu.memory_space<hbm>>
    tpu.enqueue_indirect_dma source(%arg8 : memref<73x512xf32, #tpu.memory_space<vmem>>) target(%dma_start3A_73 : memref<77x512xf32, #tpu.memory_space<hbm>>) offsets(%arg10 : memref<73xi32, #tpu.memory_space<vmem>>) semaphore(%arg14 : memref<!tpu.dma_semaphore, #tpu.memory_space<semaphore_mem>>)
    %add3A_74 = arith.constant 30 : i32
    %add3A_75 = arith.addi %mul3A_2, %add3A_74 : i32
    %dma_wait3A_76 = arith.constant 0 : i32
    %dma_wait3A_77 = arith.constant 0 : i32
    %dma_wait3A_78 = tpu.memref_slice %arg5[%add3A_75, %dma_wait3A_76, %dma_wait3A_77] : memref<1024x77x512xf32, #tpu.memory_space<hbm>> -> memref<1x77x512xf32, #tpu.memory_space<hbm>>
    %dma_wait3A_79 = tpu.memref_squeeze %dma_wait3A_78 : memref<1x77x512xf32, #tpu.memory_space<hbm>> -> memref<77x512xf32, #tpu.memory_space<hbm>>
    %dma_wait3A_80 = arith.constant 0 : i32
    %dma_wait3A_81 = arith.constant 0 : i32
    %dma_wait3A_82 = tpu.memref_slice %dma_wait3A_79[%dma_wait3A_80, %dma_wait3A_81] : memref<77x512xf32, #tpu.memory_space<hbm>> -> memref<77x512xf32, #tpu.memory_space<hbm>>
    tpu.wait_indirect_dma semaphore(%arg14 : memref<!tpu.dma_semaphore, #tpu.memory_space<semaphore_mem>>) src(%arg8 : memref<73x512xf32, #tpu.memory_space<vmem>>) dst(%dma_wait3A_82 : memref<77x512xf32, #tpu.memory_space<hbm>>)
    %add3A_83 = arith.constant 30 : i32
    %add3A_84 = arith.addi %mul3A_2, %add3A_83 : i32
    %dma_wait3A_85 = arith.constant 0 : i32
    %dma_wait3A_86 = arith.constant 0 : i32
    %dma_wait3A_87 = tpu.memref_slice %arg5[%add3A_84, %dma_wait3A_85, %dma_wait3A_86] : memref<1024x77x512xf32, #tpu.memory_space<hbm>> -> memref<1x77x512xf32, #tpu.memory_space<hbm>>
    %dma_wait3A_88 = tpu.memref_squeeze %dma_wait3A_87 : memref<1x77x512xf32, #tpu.memory_space<hbm>> -> memref<77x512xf32, #tpu.memory_space<hbm>>
    %dma_wait3A_89 = arith.constant 0 : i32
    %dma_wait3A_90 = arith.constant 0 : i32
    %dma_wait3A_91 = tpu.memref_slice %dma_wait3A_88[%dma_wait3A_89, %dma_wait3A_90] : memref<77x512xf32, #tpu.memory_space<hbm>> -> memref<77x512xf32, #tpu.memory_space<hbm>>
    tpu.wait_indirect_dma semaphore(%arg16 : memref<!tpu.dma_semaphore, #tpu.memory_space<semaphore_mem>>) src(%arg7 : memref<4x512xf32, #tpu.memory_space<vmem>>) dst(%dma_wait3A_91 : memref<77x512xf32, #tpu.memory_space<hbm>>)
    %add3A_92 = arith.constant 31 : i32
    %add3A_93 = arith.addi %mul3A_2, %add3A_92 : i32
    %dma_start3A_94 = arith.constant 0 : i32
    %dma_start3A_95 = arith.constant 0 : i32
    %dma_start3A_96 = tpu.memref_slice %arg5[%add3A_93, %dma_start3A_94, %dma_start3A_95] : memref<1024x77x512xf32, #tpu.memory_space<hbm>> -> memref<1x77x512xf32, #tpu.memory_space<hbm>>
    %dma_start3A_97 = tpu.memref_squeeze %dma_start3A_96 : memref<1x77x512xf32, #tpu.memory_space<hbm>> -> memref<77x512xf32, #tpu.memory_space<hbm>>
    %dma_start3A_98 = arith.constant 0 : i32
    %dma_start3A_99 = arith.constant 0 : i32
    %dma_start3A_100 = tpu.memref_slice %dma_start3A_97[%dma_start3A_98, %dma_start3A_99] : memref<77x512xf32, #tpu.memory_space<hbm>> -> memref<77x512xf32, #tpu.memory_space<hbm>>
    tpu.enqueue_indirect_dma source(%arg7 : memref<4x512xf32, #tpu.memory_space<vmem>>) target(%dma_start3A_100 : memref<77x512xf32, #tpu.memory_space<hbm>>) offsets(%arg11 : memref<4xi32, #tpu.memory_space<vmem>>) semaphore(%arg16 : memref<!tpu.dma_semaphore, #tpu.memory_space<semaphore_mem>>)
    %dma_wait3A_101 = arith.constant 31 : i32
    %dma_wait3A_102 = arith.constant 0 : i32
    %dma_wait3A_103 = tpu.memref_slice %arg6[%dma_wait3A_101, %dma_wait3A_102] : memref<32x77xi32, #tpu.memory_space<vmem>> -> memref<1x73xi32, #tpu.memory_space<vmem>>
    %dma_wait3A_104 = tpu.memref_squeeze %dma_wait3A_103 : memref<1x73xi32, #tpu.memory_space<vmem>> -> memref<73xi32, #tpu.memory_space<vmem>>
    %dma_wait3A_105 = arith.constant 0 : i32
    %dma_wait3A_106 = arith.constant 0 : i32
    %dma_wait3A_107 = tpu.memref_slice %arg4[%dma_wait3A_105, %dma_wait3A_106] : memref<49408x512xf32, #tpu.memory_space<hbm>> -> memref<49408x512xf32, #tpu.memory_space<hbm>>
    tpu.wait_indirect_dma semaphore(%arg13 : memref<!tpu.dma_semaphore, #tpu.memory_space<semaphore_mem>>) src(%dma_wait3A_107 : memref<49408x512xf32, #tpu.memory_space<hbm>>) dst(%arg9 : memref<73x512xf32, #tpu.memory_space<vmem>>)
    %add3A_108 = arith.constant 31 : i32
    %add3A_109 = arith.addi %mul3A_2, %add3A_108 : i32
    %dma_start3A_110 = arith.constant 0 : i32
    %dma_start3A_111 = arith.constant 0 : i32
    %dma_start3A_112 = tpu.memref_slice %arg5[%add3A_109, %dma_start3A_110, %dma_start3A_111] : memref<1024x77x512xf32, #tpu.memory_space<hbm>> -> memref<1x77x512xf32, #tpu.memory_space<hbm>>
    %dma_start3A_113 = tpu.memref_squeeze %dma_start3A_112 : memref<1x77x512xf32, #tpu.memory_space<hbm>> -> memref<77x512xf32, #tpu.memory_space<hbm>>
    %dma_start3A_114 = arith.constant 0 : i32
    %dma_start3A_115 = arith.constant 0 : i32
    %dma_start3A_116 = tpu.memref_slice %dma_start3A_113[%dma_start3A_114, %dma_start3A_115] : memref<77x512xf32, #tpu.memory_space<hbm>> -> memref<77x512xf32, #tpu.memory_space<hbm>>
    tpu.enqueue_indirect_dma source(%arg9 : memref<73x512xf32, #tpu.memory_space<vmem>>) target(%dma_start3A_116 : memref<77x512xf32, #tpu.memory_space<hbm>>) offsets(%arg10 : memref<73xi32, #tpu.memory_space<vmem>>) semaphore(%arg15 : memref<!tpu.dma_semaphore, #tpu.memory_space<semaphore_mem>>)
    %add3A_117 = arith.constant 31 : i32
    %add3A_118 = arith.addi %mul3A_2, %add3A_117 : i32
    %dma_wait3A_119 = arith.constant 0 : i32
    %dma_wait3A_120 = arith.constant 0 : i32
    %dma_wait3A_121 = tpu.memref_slice %arg5[%add3A_118, %dma_wait3A_119, %dma_wait3A_120] : memref<1024x77x512xf32, #tpu.memory_space<hbm>> -> memref<1x77x512xf32, #tpu.memory_space<hbm>>
    %dma_wait3A_122 = tpu.memref_squeeze %dma_wait3A_121 : memref<1x77x512xf32, #tpu.memory_space<hbm>> -> memref<77x512xf32, #tpu.memory_space<hbm>>
    %dma_wait3A_123 = arith.constant 0 : i32
    %dma_wait3A_124 = arith.constant 0 : i32
    %dma_wait3A_125 = tpu.memref_slice %dma_wait3A_122[%dma_wait3A_123, %dma_wait3A_124] : memref<77x512xf32, #tpu.memory_space<hbm>> -> memref<77x512xf32, #tpu.memory_space<hbm>>
    tpu.wait_indirect_dma semaphore(%arg15 : memref<!tpu.dma_semaphore, #tpu.memory_space<semaphore_mem>>) src(%arg9 : memref<73x512xf32, #tpu.memory_space<vmem>>) dst(%dma_wait3A_125 : memref<77x512xf32, #tpu.memory_space<hbm>>)
    %add3A_126 = arith.constant 31 : i32
    %add3A_127 = arith.addi %mul3A_2, %add3A_126 : i32
    %dma_wait3A_128 = arith.constant 0 : i32
    %dma_wait3A_129 = arith.constant 0 : i32
    %dma_wait3A_130 = tpu.memref_slice %arg5[%add3A_127, %dma_wait3A_128, %dma_wait3A_129] : memref<1024x77x512xf32, #tpu.memory_space<hbm>> -> memref<1x77x512xf32, #tpu.memory_space<hbm>>
    %dma_wait3A_131 = tpu.memref_squeeze %dma_wait3A_130 : memref<1x77x512xf32, #tpu.memory_space<hbm>> -> memref<77x512xf32, #tpu.memory_space<hbm>>
    %dma_wait3A_132 = arith.constant 0 : i32
    %dma_wait3A_133 = arith.constant 0 : i32
    %dma_wait3A_134 = tpu.memref_slice %dma_wait3A_131[%dma_wait3A_132, %dma_wait3A_133] : memref<77x512xf32, #tpu.memory_space<hbm>> -> memref<77x512xf32, #tpu.memory_space<hbm>>
    tpu.wait_indirect_dma semaphore(%arg16 : memref<!tpu.dma_semaphore, #tpu.memory_space<semaphore_mem>>) src(%arg7 : memref<4x512xf32, #tpu.memory_space<vmem>>) dst(%dma_wait3A_134 : memref<77x512xf32, #tpu.memory_space<hbm>>)
    return
  }
}

</mosaic_0001>

<sc_bundles>
// kernel: _prompt_gather.3.cloned.1.call-start
scs
__scs_entry_jumppad:
0x0: {  	(pc) =	sbr.rel $0x88, $3  }
0x1: {  	(tag) =	ssettag $0x0;
	lr =	simm.s32 $0x1  }
0x2: {  	[smem:$0x3F9E] =	sst lr;
	_ =	strace $0xD0000000  }
0x3: {  	_ = 	snop  }
0x4: {  	_ = 	snop  }
0x5: {  	_ = 	snop  }
0x6: {  	_ = 	snop  }
0x7: {  	_ = 	snop  }
__scs_overlays_trampoline_lowered:
0x8: {  	[smem:$0x3FAD] =	sst s0  }
0x9: {  	[smem:$0x3FAE] =	sst s1  }
0xa: {  	[smem:$0x3FAF] =	sst s2  }
0xb: {  	[smem:$0x3FB0] =	sst s3  }
0xc: {  	[smem:$0x3FB1] =	sst s4  }
0xd: {  	[smem:$0x3FB2] =	sst s5  }
0xe: {  	[smem:$0x3FB3] =	sst s6  }
0xf: {  	[smem:$0x3FB4] =	sst s7  }
0x10: {  	[smem:$0x3FB5] =	sst s8  }
0x11: {  	[smem:$0x3FB6] =	sst s9;
	s0 =	simm.s32 @!p0 $0x0  }
0x12: {  	s1 =	sld [smem:$0x3F9C];
	s0 =	simm.s32 @p0 $0x1  }
0x13: {  	[smem:$0x3FB7] =	sst s0;
	s0 =	simm.s32 @!p1 $0x0  }
0x14: {  	s2 =	sld [smem:$0x3F9B];
	s0 =	simm.s32 @p1 $0x1  }
0x15: {  	[smem:$0x3FB8] =	sst s0;
	s0 =	simm.s32 @!p2 $0x0  }
0x16: {  	s3 =	sld [smem:$0x3FDB];
	s0 =	simm.s32 @p2 $0x1  }
0x17: {  	s4 =	simm.s32 $0x1BF5;
	[smem:$0x3FBA] =	sst s0  }
0x18: {  	s0 =	sld [smem:$0x3F9D];
	_ =	swait.ge [sflag:s4], $0x0  }
0x19: {  	s7 =	sld [smem:$0x3F9E]  }
0x1a: {  	s8 =	sadd.s32 $0xFFFFE003, lr  }
0x1b: {  	s9 =	sadd.s32 $0xFFFFFEF7, lr;
	s5 =	simm.s32 $0xFFFFFFFF;
	p2 =	slt.u32 s8, $0xFFFFF086  }
0x1c: {  	p1 =	slt.u32 s9, $0xF7A;
	s5 =	simm.s32 @!p2 $0x0  }
0x1d: {  	s5 =	simm.s32 @p1 $0x1;
	p0 =	seq.s32 s7, s2  }
0x1e: {  	s7 =	smul.u32 @!p0 $0xF7A, s2;
	p2 =	seq.s32 @!p0 s5, $0x0  }
0x1f: {  	s9 =	smul.u32 $0xF7A, s1;
	s8 =	simm.s32 @!p0 $0x1BF5;
	p2 =	por !p2, p0  }
0x20: {  	[sflag:s8] =	ssyncset.s32 @!p0 $0xFFFFF086;
	s6 =	sadd.s32 @!p0 s3, s7;
	s7 =	simm.s32 @!p0 $0x108  }
0x21: {  	s3 =	sadd.s32 s3, s9;
	s6 =	sadd.s32 @!p0 $0x88, s6;
	s7 =	simm.s32 @p2 $0x1082  }
0x22: {  	[simem:s7], [sflag:s8] =	dma.local @!p0 [hbm:s6], $0xF7A  }
0x23: {  	s9 =	sor.u32 $0xD0000000, s2;
	s6 =	simm.s32 $0x108;
	_ =	swait.ge @!p0 [sflag:s8], $0x0  }
0x24: {  	s3 =	sadd.s32 $0x88, s3;
	s6 =	simm.s32 @!p1 $0x1082;
	[sflag:s4] =	ssyncset.s32 $0xFFFFF086  }
0x25: {  	[simem:s6], [sflag:s4] =	dma.local [hbm:s3], $0xF7A  }
0x26: {  	[smem:$0x3F9E] =	sst s1;
	(tag) =	ssettag s2;
	_ =	strace s9  }
0x27: {  	s1 =	sld [smem:$0x3FAE]  }
0x28: {  	s2 =	sld [smem:$0x3FAF]  }
0x29: {  	s4 =	sld [smem:$0x3FB1]  }
0x2a: {  	p0 =	seq.s32 s5, $0x0;
	s5 =	sld [smem:$0x3FB2]  }
0x2b: {  	s6 =	sld [smem:$0x3FB3]  }
0x2c: {  	s7 =	sld [smem:$0x3FB4]  }
0x2d: {  	s3 =	simm.s32 $0x108;
	s8 =	sld [smem:$0x3FB5]  }
0x2e: {  	s3 =	simm.s32 @!p0 $0x1082;
	s9 =	sld [smem:$0x3FB6]  }
0x2f: {  	lr =	sadd.s32 s0, s3;
	s0 =	sld [smem:$0x3FAD]  }
0x30: {  	s3 =	sld [smem:$0x3FB0]  }
0x31: {  	[smem:$0x3FB9] =	sst s10  }
0x32: {  	s10 =	sld [smem:$0x3FB7];
	_ =	sdelay $0x3  }
0x33: {  	p0 =	seq.s32 s10, $0x1;
	s10 =	sld [smem:$0x3FB9];
	_ =	sdelay $0x3  }
0x34: {  	[smem:$0x3FB9] =	sst s10  }
0x35: {  	s10 =	sld [smem:$0x3FB8];
	_ =	sdelay $0x3  }
0x36: {  	p1 =	seq.s32 s10, $0x1;
	s10 =	sld [smem:$0x3FB9];
	_ =	sdelay $0x3  }
0x37: {  	[smem:$0x3FB9] =	sst s10  }
0x38: {  	s10 =	sld [smem:$0x3FBA]  }
0x39: {  	_ = 	snop;
	(pc) =	sbr.ind lr, $3  }
0x3a: {  	_ = 	snop  }
0x3b: {  	_ = 	snop  }
0x3c: {  	p2 =	seq.s32 s10, $0x1;
	s10 =	sld [smem:$0x3FB9]  }
0x3d: {  	_ =	shalt  }
0x3e: {  	_ =	shalt  }
0x3f: {  	_ =	shalt  }
0x40: {  	_ =	shalt  }
0x41: {  	_ =	shalt  }
0x42: {  	_ =	shalt  }
0x43: {  	_ =	shalt  }
0x44: {  	_ =	shalt  }
0x45: {  	_ =	shalt  }
0x46: {  	_ =	shalt  }
0x47: {  	_ =	shalt  }
0x48: {  	_ =	shalt  }
0x49: {  	_ =	shalt  }
0x4a: {  	_ =	shalt  }
0x4b: {  	_ =	shalt  }
0x4c: {  	_ =	shalt  }
0x4d: {  	_ =	shalt  }
0x4e: {  	_ =	shalt  }
0x4f: {  	_ =	shalt  }
0x50: {  	_ =	shalt  }
0x51: {  	_ =	shalt  }
0x52: {  	_ =	shalt  }
0x53: {  	_ =	shalt  }
0x54: {  	_ =	shalt  }
0x55: {  	_ =	shalt  }
0x56: {  	_ =	shalt  }
0x57: {  	_ =	shalt  }
0x58: {  	_ =	shalt  }
0x59: {  	_ =	shalt  }
0x5a: {  	_ =	shalt  }
0x5b: {  	_ =	shalt  }
0x5c: {  	_ =	shalt  }
0x5d: {  	_ =	shalt  }
0x5e: {  	_ =	shalt  }
0x5f: {  	_ =	shalt  }
0x60: {  	_ =	shalt  }
0x61: {  	_ =	shalt  }
0x62: {  	_ =	shalt  }
0x63: {  	_ =	shalt  }
0x64: {  	_ =	shalt  }
0x65: {  	_ =	shalt  }
0x66: {  	_ =	shalt  }
0x67: {  	_ =	shalt  }
0x68: {  	_ =	shalt  }
0x69: {  	_ =	shalt  }
0x6a: {  	_ =	shalt  }
0x6b: {  	_ =	shalt  }
0x6c: {  	_ =	shalt  }
0x6d: {  	_ =	shalt  }
0x6e: {  	_ =	shalt  }
0x6f: {  	_ =	shalt  }
0x70: {  	_ =	shalt  }
0x71: {  	_ =	shalt  }
0x72: {  	_ =	shalt  }
0x73: {  	_ =	shalt  }
0x74: {  	_ =	shalt  }
0x75: {  	_ =	shalt  }
0x76: {  	_ =	shalt  }
0x77: {  	_ =	shalt  }
0x78: {  	_ =	shalt  }
0x79: {  	_ =	shalt  }
0x7a: {  	_ =	shalt  }
0x7b: {  	_ =	shalt  }
0x7c: {  	_ =	shalt  }
0x7d: {  	_ =	shalt  }
0x7e: {  	_ =	shalt  }
0x7f: {  	_ =	shalt  }
0x80: {  	_ =	shalt  }
0x81: {  	_ =	shalt  }
0x82: {  	_ =	shalt  }
0x83: {  	_ =	shalt  }
0x84: {  	_ =	shalt  }
0x85: {  	_ =	shalt  }
0x86: {  	_ =	shalt  }
0x87: {  	_ =	shalt  }
.Lfunc_end0:
.L_simem_size_0:
called_computation_lowered:
.L_overlay_start_0:
0x88: {  	s2 =	sld [smem:$0x3FD9]  }
0x89: {  	s3 =	sld [smem:$0x3FFE];
	_ =	sdelay $0x1  }
0x8a: {  	s1 =	srdreg.scid  }
0x8b: {  	s0 =	sand.u32 $0x1, s1  }
0x8c: {  	s17 =	sshll.u32 s0, $0xA;
	s2 =	sadd.s32 s3, s2  }
0x8d: {  	s2 =	sadd.s32 s2, s17  }
0x8e: {  	[smem:$0x3FC5] =	sst s2  }
0x8f: {  	_ = 	snop  }
0x90: {  	s2 =	sld [smem:$0x3FC8]  }
0x91: {  	s18 =	sld [smem:$0x3FC7]  }
0x92: {  	s4 =	sld [smem:$0x3FD0];
	(tm) =	ssettm $0x1  }
0x93: {  	s5 =	sld [smem:$0x3FFB];
	_ =	sdelay $0x3  }
0x94: {  	_ =	strace s5  }
0x95: {  	s5 =	sld [smem:$0x3FFC];
	_ =	sdelay $0x3  }
0x96: {  	_ =	strace s5  }
0x97: {  	s5 =	sld [smem:$0x3FFD];
	_ =	sdelay $0x3  }
0x98: {  	_ =	strace s5  }
0x99: {  	_ =	strace $0x8FFFFFFF  }
0x9a: {  	s19 =	sld [smem:$0x3FDB];
	_ =	sdelay $0x1  }
0x9b: {  	s6 =	simm.s32 $_scs_section_size  }
0x9c: {  	s7 =	simm.s32 $_size__tile_overlayer_lowered;
	s8 =	simm.s32 $_tile_overlayer_lowered  }
0x9d: {  	s22 =	simm.s32 $0x1BFF;
	s21 =	sshll.u32 s8, $0x1;
	s5 =	sadd.s32 s6, s19  }
0x9e: {  	s9 =	simm.s32 $0x0;
	s20 =	sshll.u32 s7, $0x1;
	s7 =	sadd.s32 s21, s5  }
0x9f: {  	[timem:s9], [sflag:s22] =	dma.local [hbm:s7], s20  }
0xa0: {  	_ =	swait.ge [sflag:s22], s20  }
0xa1: {  	s6 =	ssub.s32 $0x0, s20;
	[sflag:s22] =	ssyncset.done $0x0  }
0xa2: {  	[sflag:s22] =	ssyncadd.s32 s6;
	_ =	sdelay $0x1  }
0xa3: {  	s23 =	simm.s32 $0x1B8B  }
0xa4: {  	_ =	swait.ge [sflag:s23], $0x1  }
0xa5: {  	[sflag:s23] =	ssyncset.done $0x0  }
0xa6: {  	s25 =	simm.s32 $0x1B8E;
	s24 =	sld [smem:$0x3FFE];
	[sflag:s23] =	ssyncadd.s32 $0xFFFFFFFF  }
0xa7: {  	s26 =	simm.s32 $execute0_lowered;
	[smem:$0x3FD2] =	sst s25  }
0xa8: {  	s7 =	sshll.u32 s26, $0x1;
	_ =	strace $0x80000046;
	[dreg:$0x1] =	wrdreg $0xFFFFFFFF  }
0xa9: {  	s28 =	simm.s32 $_size_execute0_lowered;
	s5 =	sadd.s32 s5, s7;
	[dreg:$0x0] =	wrdreg $0x0  }
0xaa: {  	s7 =	sshll.u32 s28, $0x1;
	[dreg:$0x2] =	wrdreg s5  }
0xab: {  	[dreg:$0x3] =	wrdreg s7  }
0xac: {  	[dreg:$0x4] =	wrdreg $0xC0  }
0xad: {  	_ =	task [dreg:s9], $0x5FFFF  }
0xae: {  	[dreg:$0x1] =	wrdreg $0xFFFFFFFF  }
0xaf: {  	[dreg:$0x0] =	wrdreg $0x60  }
0xb0: {  	[dreg:$0x2] =	wrdreg s4  }
0xb1: {  	[dreg:$0x3] =	wrdreg s2  }
0xb2: {  	[dreg:$0x4] =	wrdreg s18  }
0xb3: {  	[dreg:$0x5] =	wrdreg s24  }
0xb4: {  	[dreg:$0x6] =	wrdreg $0x9  }
0xb5: {  	_ =	task.clear_ibuf [dreg:s9], $0x7FFFF;
	_ =	strace $0x90000046  }
0xb6: {  	s29 =	simm.s32 $0x9;
	_ =	strace $0x80000048  }
0xb7: {  	_ =	swait.ge [sflag:s29], $0x1  }
0xb8: {  	[sflag:s29] =	ssyncadd.s32 $0xFFFFFFFF  }
0xb9: {  	_ =	strace $0x90000048  }
0xba: {  	_ =	sfence  }
0xbb: {  	s30 =	sld [smem:$0x0];
	_ =	sdelay $0x2  }
0xbc: {  	s31 =	sshll.u32 s1, $0xD;
	s1 =	sshrl.u32 s1, $0x2  }
0xbd: {  	s3 =	sand.u32 $0x4000, s31;
	s1 =	sadd.s32 s1, s30  }
0xbe: {  	s0 =	sor.u32 s3, s0;
	s1 =	sshll.u32 s1, $0x11  }
0xbf: {  	s0 =	sor.u32 s1, s0  }
0xc0: {  	s0 =	sadd.s32 $0x8F2B, s0  }
0xc1: {  	[sflag:s0] =	ssyncadd.remote.s32 $0x1  }
0xc2: {  	_ =	sfence.sel $0xFFFF  }
0xc3: {  	[dreg:$0x0] =	wrdreg $0xFFFFFFFF;
	(pc) =	sbr.abs _section_cstart, $3  }
0xc4: {  	[dreg:$0x1] =	wrdreg $0xFFFFFFFF  }
0xc5: {  	_ =	task.clear_ibuf [dreg:s9], $0x2FFFF;
	_ =	strace $0x9FFFFFFF  }
0xc6: {  	(tm) =	ssettm $0x7FFFFFFF  }
0xc7: {  	_ =	shalt  }
tec
execute0_lowered:
.L_overlay_start_1:
0x0: {  	(tag) =	ssettag $0x1  }
0x1: {  	s0 =	rddreg [dreg:$0x0]  }
0x2: {  	s3 =	rddreg [dreg:$0x2];
	s1 =	srdreg.scid  }
0x3: {  	s2 =	rddreg [dreg:$0x3];
	s9 =	stileid.u32  }
0x4: {  	s4 =	simm.s32 $0x0;
	s28 =	simm.s32 $0xB000;
	s13 =	simm.s32 $0xB800  }
0x5: {  	s30 =	simm.s32 $0xC000;
	s31 =	simm.s32 $0xC800;
	s29 =	simm.s32 $0xD000  }
0x6: {  	s10 =	simm.s32 $0xE800;
	s14 =	simm.s32 $0x10000;
	s15 =	simm.s32 $0x10800  }
0x7: {  	s16 =	simm.s32 $0x11000;
	s17 =	simm.s32 $0x11800;
	s18 =	simm.s32 $0x12000  }
0x8: {  	s19 =	simm.s32 $0x12800;
	s11 =	simm.s32 $0x14000;
	s1 =	sand.u32 $0x1, s1  }
0x9: {  	s5 =	sshll.u32 s9, $0x6;
	[smem:$0x7FF] =	sst s4;
	s2 =	sadd.s32 $0x400, s2  }
0xa: {  	s22 =	smul.u32 $0x50000, s9;
	s9 =	simm.s32 $0xE000;
	s6 =	sshll.u32 s1, $0x5  }
0xb: {  	s7 =	ssub.s32 $0x2, s1;
	_ =	strace $0x80000047;
	s1 =	smul.u32 $0x28000, s1  }
0xc: {  	s5 =	sor.u32 s6, s5;
	s20 =	sshrl.u32 s7, $0x1;
	s6 =	sadd.s32 $0x100, s3  }
0xd: {  	s8 =	smul.u32 $0xA000, s5;
	s7 =	ssub.s32 s7, s20;
	s5 =	sshll.u32 s5, $0x4  }
0xe: {  	s20 =	simm.s32 $0x13000;
	s0 =	sadd.s32 s0, s5;
	s25 =	smax.u32 s7, $0x1  }
0xf: {  	s5 =	simm.s32 $0xD800;
	s7 =	simm.s32 $0xF000;
	[dreg:$0x6] =	wrdreg s0  }
0x10: {  	v0 =	vlaneseq.u32;
	vm0 =	vmmov $0xffff;
	vm1 =	vcmask $0x2320;
	s21 =	sshrl.u32 s8, $0x3;
	[dreg:$0x9] =	wrdreg s25;
	s25 =	simm.s32 $0xA000  }
0x11: {  	vm2 =	vcmask $0x300;
	v1 =	vadd.s32 $0x4, v0;
	v2 =	vadd.s32 $0x14, v0;
	s8 =	simm.s32 $0xF800;
	s23 =	sadd.s32 s2, s21;
	s2 =	sadd.s32 s22, s2  }
0x12: {  	v3 =	vadd.s32 $0x24, v0;
	v4 =	vadd.s32 $0x34, v0;
	v5 =	vor.u32 $0x40, v0;
	s21 =	simm.s32 $0x13800;
	s22 =	simm.s32 $0x14800;
	s24 =	sadd.s32 $0x25800, s23  }
0x13: {  	v6 =	vadd.s32 $0x44, v0;
	v7 =	vand.u32 $0x7, v0;
	v8 =	vshrl.u32 v0, $0x3;
	s0 =	sadd.s32 $0x26C00, s23;
	s26 =	sadd.s32 s1, s2;
	[dreg:$0x7] =	wrdreg s24  }
0x14: {  	v9 =	vor.u32 $0x8, v0;
	v11 =	vshrl.u32 v0, $0x2;
	vm1 =	vmor vm2, vm1;
	s2 =	simm.s32 $0x1000;
	s23 =	simm.s32 $0x15000;
	[dreg:$0x8] =	wrdreg s0  }
0x15: {  	v10 =	vand.u32 $0x3, v0;
	v8 =	vmul.u32 $0x8, v8;
	v11 =	vmul.u32 $0x8, v11;
	s1 =	simm.s32 $0x0;
	[dreg:$0x5] =	wrdreg s26;
	s26 =	simm.s32 $0xA800  }
.LBB2_1:
0x16: {  	[dreg:$0xa] =	wrdreg s1  }
0x17: {  	s0 =	rddreg [dreg:$0x6];
	s12 =	simm.s32 $0x6  }
0x18: {  	[tilespmem:s4], [sflag:$0x6] =	stream.linear.gather [hbm4b:s0+s4], $0x1000, $0x38;
	[tilespmem:$0x15900] =	vst v63  }
0x19: {  	_ =	swait.ge [sflag:s12], $0x1000  }
0x1a: {  	[sflag:s12] =	ssyncset.done $0x0  }
0x1b: {  	[sflag:s12] =	ssyncadd.s32 $0xFFFFF000  }
0x1c: {  	s24 =	rddreg [dreg:$0x1]  }
0x1d: {  	[tilespmem:s2], [sflag:$0x6] =	stream.linear.gather [hbm4b:s24+s4], $0x800, $0x38;
	[tilespmem:$0x15900] =	vst v63  }
0x1e: {  	_ =	swait.ge [sflag:s12], $0x800  }
0x1f: {  	[sflag:s12] =	ssyncset.done $0x0  }
0x20: {  	[sflag:s12] =	ssyncadd.s32 $0xFFFFF800  }
0x21: {  	[tilespmem:$0x15800] =	vst v1  }
0x22: {  	[tilespmem:$0x15810] =	vst v2  }
0x23: {  	[tilespmem:$0x15820] =	vst v3  }
0x24: {  	s2 =	simm.s32 $0x15800;
	[tilespmem:$0x15830] =	vst v4  }
0x25: {  	s12 =	simm.s32 $0x15880;
	[tilespmem:v5+s2+$0x0] =	vst.idx.msk $0x1ff, v6  }
0x26: {  	[tilespmem:v0+s12+$0x0] =	vst.idx.msk $0xf, v0  }
0x27: {  	v12 =	vld [tilespmem:$0x0];
	_ =	sdelay $0x4  }
0x28: {  	v13 =	vshll.u32 v12, $0x2  }
0x29: {  	v12 =	vand.u32 $0x7, v12;
	v13 =	vand.u32 $0xFFFFFFE0, v13  }
0x2a: {  	v12 =	vor.u32 v12, v13  }
0x2b: {  	v13 =	vperm.xlane v12, v7;
	_ =	sdelay $0x1  }
0x2c: {  	v13 =	vadd.s32 v8, v13;
	_ =	sdelay $0x1  }
0x2d: {  	v12 =	vperm.xlane v12, v9;
	_ =	sdelay $0x1  }
0x2e: {  	s24 =	simm.s32 $0x1800;
	v12 =	vadd.s32 v8, v12  }
0x2f: {  	[tilespmem:s24], [sflag:$0x1] =	stream.indirect_vreg.gather [hbm4b:s3+s4], $0x80, v13, vm0, $0xb8;
	[tilespmem:$0x15900] =	vst v63  }
0x30: {  	s1 =	simm.s32 $0x2000  }
0x31: {  	[tilespmem:s1], [sflag:$0x1] =	stream.indirect_vreg.gather [hbm4b:s6+s4], $0x80, v13, vm0, $0xb8;
	[tilespmem:$0x15900] =	vst v63  }
0x32: {  	s2 =	simm.s32 $0x2800  }
0x33: {  	[tilespmem:s2], [sflag:$0x1] =	stream.indirect_vreg.gather [hbm4b:s3+s4], $0x80, v12, vm0, $0xb8;
	[tilespmem:$0x15900] =	vst v63  }
0x34: {  	s12 =	simm.s32 $0x3000  }
0x35: {  	[tilespmem:s12], [sflag:$0x1] =	stream.indirect_vreg.gather [hbm4b:s6+s4], $0x80, v12, vm0, $0xb8;
	[tilespmem:$0x15900] =	vst v63  }
0x36: {  	v12 =	vld [tilespmem:$0x10];
	_ =	sdelay $0x4  }
0x37: {  	v55 =	vshll.u32 v12, $0x2  }
0x38: {  	v12 =	vand.u32 $0x7, v12;
	v13 =	vand.u32 $0xFFFFFFE0, v55  }
0x39: {  	v12 =	vor.u32 v12, v13  }
0x3a: {  	v13 =	vperm.xlane v12, v7;
	_ =	sdelay $0x1  }
0x3b: {  	v13 =	vadd.s32 v8, v13;
	_ =	sdelay $0x1  }
0x3c: {  	v12 =	vperm.xlane v12, v9;
	_ =	sdelay $0x1  }
0x3d: {  	s24 =	simm.s32 $0x3800;
	v12 =	vadd.s32 v8, v12  }
0x3e: {  	[tilespmem:s24], [sflag:$0x1] =	stream.indirect_vreg.gather [hbm4b:s3+s4], $0x80, v13, vm0, $0xb8;
	[tilespmem:$0x15900] =	vst v63  }
0x3f: {  	s1 =	simm.s32 $0x4000  }
0x40: {  	[tilespmem:s1], [sflag:$0x1] =	stream.indirect_vreg.gather [hbm4b:s6+s4], $0x80, v13, vm0, $0xb8;
	[tilespmem:$0x15900] =	vst v63  }
0x41: {  	s2 =	simm.s32 $0x4800  }
0x42: {  	[tilespmem:s2], [sflag:$0x1] =	stream.indirect_vreg.gather [hbm4b:s3+s4], $0x80, v12, vm0, $0xb8;
	[tilespmem:$0x15900] =	vst v63  }
0x43: {  	s12 =	simm.s32 $0x5000  }
0x44: {  	[tilespmem:s12], [sflag:$0x1] =	stream.indirect_vreg.gather [hbm4b:s6+s4], $0x80, v12, vm0, $0xb8;
	[tilespmem:$0x15900] =	vst v63  }
0x45: {  	v12 =	vld [tilespmem:$0x20];
	_ =	sdelay $0x4  }
0x46: {  	v56 =	vshll.u32 v12, $0x2  }
0x47: {  	v12 =	vand.u32 $0x7, v12;
	v13 =	vand.u32 $0xFFFFFFE0, v56  }
0x48: {  	v12 =	vor.u32 v12, v13  }
0x49: {  	v13 =	vperm.xlane v12, v7;
	_ =	sdelay $0x1  }
0x4a: {  	v13 =	vadd.s32 v8, v13;
	_ =	sdelay $0x1  }
0x4b: {  	v12 =	vperm.xlane v12, v9;
	_ =	sdelay $0x1  }
0x4c: {  	s24 =	simm.s32 $0x5800;
	v12 =	vadd.s32 v8, v12  }
0x4d: {  	[tilespmem:s24], [sflag:$0x1] =	stream.indirect_vreg.gather [hbm4b:s3+s4], $0x80, v13, vm0, $0xb8;
	[tilespmem:$0x15900] =	vst v63  }
0x4e: {  	s1 =	simm.s32 $0x6000  }
0x4f: {  	[tilespmem:s1], [sflag:$0x1] =	stream.indirect_vreg.gather [hbm4b:s6+s4], $0x80, v13, vm0, $0xb8;
	[tilespmem:$0x15900] =	vst v63  }
0x50: {  	s2 =	simm.s32 $0x6800  }
0x51: {  	[tilespmem:s2], [sflag:$0x1] =	stream.indirect_vreg.gather [hbm4b:s3+s4], $0x80, v12, vm0, $0xb8;
	[tilespmem:$0x15900] =	vst v63  }
0x52: {  	s12 =	simm.s32 $0x7000  }
0x53: {  	[tilespmem:s12], [sflag:$0x1] =	stream.indirect_vreg.gather [hbm4b:s6+s4], $0x80, v12, vm0, $0xb8;
	[tilespmem:$0x15900] =	vst v63  }
0x54: {  	v12 =	vld [tilespmem:$0x30];
	_ =	sdelay $0x4  }
0x55: {  	v57 =	vshll.u32 v12, $0x2  }
0x56: {  	v12 =	vand.u32 $0x7, v12;
	v13 =	vand.u32 $0xFFFFFFE0, v57  }
0x57: {  	v12 =	vor.u32 v12, v13  }
0x58: {  	v13 =	vperm.xlane v12, v7;
	_ =	sdelay $0x1  }
0x59: {  	v13 =	vadd.s32 v8, v13;
	_ =	sdelay $0x1  }
0x5a: {  	v12 =	vperm.xlane v12, v9;
	_ =	sdelay $0x1  }
0x5b: {  	s24 =	simm.s32 $0x7800;
	v12 =	vadd.s32 v8, v12  }
0x5c: {  	[tilespmem:s24], [sflag:$0x1] =	stream.indirect_vreg.gather [hbm4b:s3+s4], $0x80, v13, vm0, $0xb8;
	[tilespmem:$0x15900] =	vst v63  }
0x5d: {  	s1 =	simm.s32 $0x8000  }
0x5e: {  	[tilespmem:s1], [sflag:$0x1] =	stream.indirect_vreg.gather [hbm4b:s6+s4], $0x80, v13, vm0, $0xb8;
	[tilespmem:$0x15900] =	vst v63  }
0x5f: {  	s2 =	simm.s32 $0x8800  }
0x60: {  	[tilespmem:s2], [sflag:$0x1] =	stream.indirect_vreg.gather [hbm4b:s3+s4], $0x80, v12, vm0, $0xb8;
	[tilespmem:$0x15900] =	vst v63  }
0x61: {  	s12 =	simm.s32 $0x9000  }
0x62: {  	[tilespmem:s12], [sflag:$0x1] =	stream.indirect_vreg.gather [hbm4b:s6+s4], $0x80, v12, vm0, $0xb8;
	[tilespmem:$0x15900] =	vst v63  }
0x63: {  	v12 =	vld.msk [tilespmem:$0x40], $0x1ff;
	_ =	sdelay $0x4  }
0x64: {  	v58 =	vshll.u32 v12, $0x2  }
0x65: {  	v12 =	vand.u32 $0x7, v12;
	v13 =	vand.u32 $0xFFFFFFE0, v58  }
0x66: {  	v12 =	vor.u32 v12, v13  }
0x67: {  	v13 =	vperm.xlane v12, v7;
	_ =	sdelay $0x1  }
0x68: {  	v13 =	vadd.s32 v8, v13;
	_ =	sdelay $0x1  }
0x69: {  	v12 =	vperm.xlane v12, v9;
	_ =	sdelay $0x1  }
0x6a: {  	s24 =	simm.s32 $0x9800;
	v12 =	vadd.s32 v8, v12  }
0x6b: {  	[tilespmem:s24], [sflag:$0x1] =	stream.indirect_vreg.gather [hbm4b:s3+s4], $0x80, v13, vm0, $0xb8;
	[tilespmem:$0x15900] =	vst v63  }
0x6c: {  	_ = 	snop  }
0x6d: {  	[tilespmem:s25], [sflag:$0x1] =	stream.indirect_vreg.gather [hbm4b:s6+s4], $0x80, v13, vm0, $0xb8;
	[tilespmem:$0x15900] =	vst v63  }
0x6e: {  	_ = 	snop  }
0x6f: {  	[tilespmem:s26], [sflag:$0x1] =	stream.indirect_vreg.gather [hbm4b:s3+s4], $0x80, v12, vm1, $0xb8;
	[tilespmem:$0x15900] =	vst v63  }
0x70: {  	_ = 	snop  }
0x71: {  	[tilespmem:s28], [sflag:$0x1] =	stream.indirect_vreg.gather [hbm4b:s6+s4], $0x80, v12, vm1, $0xb8;
	[tilespmem:$0x15900] =	vst v63  }
0x72: {  	v12 =	vld [tilespmem:$0x80];
	_ =	sdelay $0x4  }
0x73: {  	v59 =	vshll.u32 v12, $0x2  }
0x74: {  	v12 =	vand.u32 $0x7, v12;
	v13 =	vand.u32 $0xFFFFFFE0, v59  }
0x75: {  	v12 =	vor.u32 v12, v13  }
0x76: {  	v13 =	vperm.xlane v12, v7;
	_ =	sdelay $0x1  }
0x77: {  	v13 =	vadd.s32 v8, v13;
	_ =	sdelay $0x1  }
0x78: {  	v12 =	vperm.xlane v12, v9;
	_ =	sdelay $0x1  }
0x79: {  	v12 =	vadd.s32 v8, v12  }
0x7a: {  	[tilespmem:s13], [sflag:$0x2] =	stream.indirect_vreg.gather [hbm4b:s3+s4], $0x80, v13, vm0, $0xb8;
	[tilespmem:$0x15900] =	vst v63  }
0x7b: {  	_ = 	snop  }
0x7c: {  	[tilespmem:s30], [sflag:$0x2] =	stream.indirect_vreg.gather [hbm4b:s6+s4], $0x80, v13, vm0, $0xb8;
	[tilespmem:$0x15900] =	vst v63  }
0x7d: {  	_ = 	snop  }
0x7e: {  	[tilespmem:s31], [sflag:$0x2] =	stream.indirect_vreg.gather [hbm4b:s3+s4], $0x80, v12, vm0, $0xb8;
	[tilespmem:$0x15900] =	vst v63  }
0x7f: {  	_ = 	snop  }
0x80: {  	[tilespmem:s29], [sflag:$0x2] =	stream.indirect_vreg.gather [hbm4b:s6+s4], $0x80, v12, vm0, $0xb8;
	[tilespmem:$0x15900] =	vst v63  }
0x81: {  	v12 =	vld [tilespmem:$0x90];
	_ =	sdelay $0x4  }
0x82: {  	v60 =	vshll.u32 v12, $0x2  }
0x83: {  	v12 =	vand.u32 $0x7, v12;
	v13 =	vand.u32 $0xFFFFFFE0, v60  }
0x84: {  	v12 =	vor.u32 v12, v13  }
0x85: {  	v13 =	vperm.xlane v12, v7;
	_ =	sdelay $0x1  }
0x86: {  	v13 =	vadd.s32 v8, v13;
	_ =	sdelay $0x1  }
0x87: {  	v12 =	vperm.xlane v12, v9;
	_ =	sdelay $0x1  }
0x88: {  	v12 =	vadd.s32 v8, v12  }
0x89: {  	[tilespmem:s5], [sflag:$0x2] =	stream.indirect_vreg.gather [hbm4b:s3+s4], $0x80, v13, vm0, $0xb8;
	[tilespmem:$0x15900] =	vst v63  }
0x8a: {  	_ = 	snop  }
0x8b: {  	[tilespmem:s9], [sflag:$0x2] =	stream.indirect_vreg.gather [hbm4b:s6+s4], $0x80, v13, vm0, $0xb8;
	[tilespmem:$0x15900] =	vst v63  }
0x8c: {  	_ = 	snop  }
0x8d: {  	[tilespmem:s10], [sflag:$0x2] =	stream.indirect_vreg.gather [hbm4b:s3+s4], $0x80, v12, vm0, $0xb8;
	[tilespmem:$0x15900] =	vst v63  }
0x8e: {  	_ = 	snop  }
0x8f: {  	[tilespmem:s7], [sflag:$0x2] =	stream.indirect_vreg.gather [hbm4b:s6+s4], $0x80, v12, vm0, $0xb8;
	[tilespmem:$0x15900] =	vst v63  }
0x90: {  	v12 =	vld [tilespmem:$0xA0];
	_ =	sdelay $0x4  }
0x91: {  	v61 =	vshll.u32 v12, $0x2  }
0x92: {  	v12 =	vand.u32 $0x7, v12;
	v13 =	vand.u32 $0xFFFFFFE0, v61  }
0x93: {  	v12 =	vor.u32 v12, v13  }
0x94: {  	v13 =	vperm.xlane v12, v7;
	_ =	sdelay $0x1  }
0x95: {  	v13 =	vadd.s32 v8, v13;
	_ =	sdelay $0x1  }
0x96: {  	v12 =	vperm.xlane v12, v9;
	_ =	sdelay $0x1  }
0x97: {  	v12 =	vadd.s32 v8, v12  }
0x98: {  	[tilespmem:s8], [sflag:$0x2] =	stream.indirect_vreg.gather [hbm4b:s3+s4], $0x80, v13, vm0, $0xb8;
	[tilespmem:$0x15900] =	vst v63  }
0x99: {  	_ = 	snop  }
0x9a: {  	[tilespmem:s14], [sflag:$0x2] =	stream.indirect_vreg.gather [hbm4b:s6+s4], $0x80, v13, vm0, $0xb8;
	[tilespmem:$0x15900] =	vst v63  }
0x9b: {  	_ = 	snop  }
0x9c: {  	[tilespmem:s15], [sflag:$0x2] =	stream.indirect_vreg.gather [hbm4b:s3+s4], $0x80, v12, vm0, $0xb8;
	[tilespmem:$0x15900] =	vst v63  }
0x9d: {  	_ = 	snop  }
0x9e: {  	[tilespmem:s16], [sflag:$0x2] =	stream.indirect_vreg.gather [hbm4b:s6+s4], $0x80, v12, vm0, $0xb8;
	[tilespmem:$0x15900] =	vst v63  }
0x9f: {  	v12 =	vld [tilespmem:$0xB0];
	_ =	sdelay $0x4  }
0xa0: {  	v62 =	vshll.u32 v12, $0x2  }
0xa1: {  	v12 =	vand.u32 $0x7, v12;
	v13 =	vand.u32 $0xFFFFFFE0, v62  }
0xa2: {  	v12 =	vor.u32 v12, v13  }
0xa3: {  	v13 =	vperm.xlane v12, v7;
	_ =	sdelay $0x1  }
0xa4: {  	v13 =	vadd.s32 v8, v13;
	_ =	sdelay $0x1  }
0xa5: {  	v12 =	vperm.xlane v12, v9;
	_ =	sdelay $0x1  }
0xa6: {  	v12 =	vadd.s32 v8, v12  }
0xa7: {  	[tilespmem:s17], [sflag:$0x2] =	stream.indirect_vreg.gather [hbm4b:s3+s4], $0x80, v13, vm0, $0xb8;
	[tilespmem:$0x15900] =	vst v63  }
0xa8: {  	_ = 	snop  }
0xa9: {  	[tilespmem:s18], [sflag:$0x2] =	stream.indirect_vreg.gather [hbm4b:s6+s4], $0x80, v13, vm0, $0xb8;
	[tilespmem:$0x15900] =	vst v63  }
0xaa: {  	_ = 	snop  }
0xab: {  	[tilespmem:s19], [sflag:$0x2] =	stream.indirect_vreg.gather [hbm4b:s3+s4], $0x80, v12, vm0, $0xb8;
	[tilespmem:$0x15900] =	vst v63  }
0xac: {  	_ = 	snop  }
0xad: {  	[tilespmem:s20], [sflag:$0x2] =	stream.indirect_vreg.gather [hbm4b:s6+s4], $0x80, v12, vm0, $0xb8;
	[tilespmem:$0x15900] =	vst v63  }
0xae: {  	v12 =	vld.msk [tilespmem:$0xC0], $0x1ff;
	_ =	sdelay $0x4  }
0xaf: {  	v63 =	vshll.u32 v12, $0x2  }
0xb0: {  	v12 =	vand.u32 $0x7, v12;
	v13 =	vand.u32 $0xFFFFFFE0, v63  }
0xb1: {  	v12 =	vor.u32 v12, v13  }
0xb2: {  	v13 =	vperm.xlane v12, v7;
	_ =	sdelay $0x1  }
0xb3: {  	v13 =	vadd.s32 v8, v13;
	_ =	sdelay $0x1  }
0xb4: {  	v12 =	vperm.xlane v12, v9;
	_ =	sdelay $0x1  }
0xb5: {  	v12 =	vadd.s32 v8, v12  }
0xb6: {  	[tilespmem:s21], [sflag:$0x2] =	stream.indirect_vreg.gather [hbm4b:s3+s4], $0x80, v13, vm0, $0xb8;
	[tilespmem:$0x15900] =	vst v63  }
0xb7: {  	_ = 	snop  }
0xb8: {  	[tilespmem:s11], [sflag:$0x2] =	stream.indirect_vreg.gather [hbm4b:s6+s4], $0x80, v13, vm0, $0xb8;
	[tilespmem:$0x15900] =	vst v63  }
0xb9: {  	_ = 	snop  }
0xba: {  	[tilespmem:s22], [sflag:$0x2] =	stream.indirect_vreg.gather [hbm4b:s3+s4], $0x80, v12, vm1, $0xb8;
	[tilespmem:$0x15900] =	vst v63  }
0xbb: {  	s0 =	simm.s32 $0x1C0;
	s1 =	simm.s32 $0x0  }
0xbc: {  	[tilespmem:s23], [sflag:$0x2] =	stream.indirect_vreg.gather [hbm4b:s6+s4], $0x80, v12, vm1, $0xb8;
	[tilespmem:$0x15900] =	vst v63  }
.LBB2_2:
0xbd: {  	v12 =	vld.msk [tilespmem:$0x15880], $0xf;
	_ =	sdelay $0x4  }
0xbe: {  	v13 =	vshll.u32 v12, $0x2  }
0xbf: {  	v12 =	vand.u32 $0x7, v12;
	v13 =	vand.u32 $0xFFFFFFE0, v13  }
0xc0: {  	v12 =	vor.u32 v12, v13  }
0xc1: {  	v12 =	vperm.xlane v12, v10;
	_ =	sdelay $0x1  }
0xc2: {  	v12 =	vadd.s32 v11, v12;
	_ =	sdelay $0x2  }
0xc3: {  	s2 =	rddreg [dreg:$0x5]  }
0xc4: {  	s13 =	simm.s32 $0x1000;
	s5 =	simm.s32 $0x1;
	s2 =	sadd.s32 s1, s2  }
0xc5: {  	[hbm4b:s2+s4] =	stream.indirect_vreg.scatter [tilespmem:s13], [sflag:$0x5], $0x80, v12, vm0, $0xb8;
	[tilespmem:$0x15900] =	vst v63  }
0xc6: {  	_ =	swait.ge [sflag:s5], $0x9200  }
0xc7: {  	[sflag:s5] =	ssyncset.done $0x0  }
0xc8: {  	[sflag:s5] =	ssyncadd.s32 $0xFFFF6E00  }
0xc9: {  	v38 =	vld [tilespmem:$0x15800];
	_ =	sdelay $0x4  }
0xca: {  	v39 =	vshll.u32 v38, $0x2  }
0xcb: {  	v12 =	vand.u32 $0x7, v38;
	v13 =	vand.u32 $0xFFFFFFE0, v39  }
0xcc: {  	v12 =	vor.u32 v12, v13  }
0xcd: {  	v13 =	vperm.xlane v12, v7;
	_ =	sdelay $0x1  }
0xce: {  	v13 =	vadd.s32 v8, v13;
	_ =	sdelay $0x1  }
0xcf: {  	v12 =	vperm.xlane v12, v9;
	_ =	sdelay $0x1  }
0xd0: {  	s9 =	simm.s32 $0x1800;
	v12 =	vadd.s32 v8, v12  }
0xd1: {  	[hbm4b:s2+s4] =	stream.indirect_vreg.scatter [tilespmem:s9], [sflag:$0x3], $0x80, v13, vm0, $0xb8;
	[tilespmem:$0x15900] =	vst v63  }
0xd2: {  	s10 =	simm.s32 $0x2000;
	s12 =	sadd.s32 $0x100, s2  }
0xd3: {  	[hbm4b:s12+s4] =	stream.indirect_vreg.scatter [tilespmem:s10], [sflag:$0x3], $0x80, v13, vm0, $0xb8;
	[tilespmem:$0x15900] =	vst v63  }
0xd4: {  	s7 =	simm.s32 $0x2800  }
0xd5: {  	[hbm4b:s2+s4] =	stream.indirect_vreg.scatter [tilespmem:s7], [sflag:$0x3], $0x80, v12, vm0, $0xb8;
	[tilespmem:$0x15900] =	vst v63  }
0xd6: {  	s8 =	simm.s32 $0x3000  }
0xd7: {  	[hbm4b:s12+s4] =	stream.indirect_vreg.scatter [tilespmem:s8], [sflag:$0x3], $0x80, v12, vm0, $0xb8;
	[tilespmem:$0x15900] =	vst v63  }
0xd8: {  	v12 =	vld [tilespmem:$0x15810];
	_ =	sdelay $0x4  }
0xd9: {  	v40 =	vshll.u32 v12, $0x2  }
0xda: {  	v12 =	vand.u32 $0x7, v12;
	v13 =	vand.u32 $0xFFFFFFE0, v40  }
0xdb: {  	v12 =	vor.u32 v12, v13  }
0xdc: {  	v13 =	vperm.xlane v12, v7;
	_ =	sdelay $0x1  }
0xdd: {  	v13 =	vadd.s32 v8, v13;
	_ =	sdelay $0x1  }
0xde: {  	v12 =	vperm.xlane v12, v9;
	_ =	sdelay $0x1  }
0xdf: {  	s14 =	simm.s32 $0x3800;
	v12 =	vadd.s32 v8, v12  }
0xe0: {  	[hbm4b:s2+s4] =	stream.indirect_vreg.scatter [tilespmem:s14], [sflag:$0x3], $0x80, v13, vm0, $0xb8;
	[tilespmem:$0x15900] =	vst v63  }
0xe1: {  	s15 =	simm.s32 $0x4000  }
0xe2: {  	[hbm4b:s12+s4] =	stream.indirect_vreg.scatter [tilespmem:s15], [sflag:$0x3], $0x80, v13, vm0, $0xb8;
	[tilespmem:$0x15900] =	vst v63  }
0xe3: {  	s16 =	simm.s32 $0x4800  }
0xe4: {  	[hbm4b:s2+s4] =	stream.indirect_vreg.scatter [tilespmem:s16], [sflag:$0x3], $0x80, v12, vm0, $0xb8;
	[tilespmem:$0x15900] =	vst v63  }
0xe5: {  	s17 =	simm.s32 $0x5000  }
0xe6: {  	[hbm4b:s12+s4] =	stream.indirect_vreg.scatter [tilespmem:s17], [sflag:$0x3], $0x80, v12, vm0, $0xb8;
	[tilespmem:$0x15900] =	vst v63  }
0xe7: {  	v12 =	vld [tilespmem:$0x15820];
	_ =	sdelay $0x4  }
0xe8: {  	v41 =	vshll.u32 v12, $0x2  }
0xe9: {  	v12 =	vand.u32 $0x7, v12;
	v13 =	vand.u32 $0xFFFFFFE0, v41  }
0xea: {  	v12 =	vor.u32 v12, v13  }
0xeb: {  	v13 =	vperm.xlane v12, v7;
	_ =	sdelay $0x1  }
0xec: {  	v13 =	vadd.s32 v8, v13;
	_ =	sdelay $0x1  }
0xed: {  	v12 =	vperm.xlane v12, v9;
	_ =	sdelay $0x1  }
0xee: {  	s18 =	simm.s32 $0x5800;
	v12 =	vadd.s32 v8, v12  }
0xef: {  	[hbm4b:s2+s4] =	stream.indirect_vreg.scatter [tilespmem:s18], [sflag:$0x3], $0x80, v13, vm0, $0xb8;
	[tilespmem:$0x15900] =	vst v63  }
0xf0: {  	s19 =	simm.s32 $0x6000  }
0xf1: {  	[hbm4b:s12+s4] =	stream.indirect_vreg.scatter [tilespmem:s19], [sflag:$0x3], $0x80, v13, vm0, $0xb8;
	[tilespmem:$0x15900] =	vst v63  }
0xf2: {  	s20 =	simm.s32 $0x6800  }
0xf3: {  	[hbm4b:s2+s4] =	stream.indirect_vreg.scatter [tilespmem:s20], [sflag:$0x3], $0x80, v12, vm0, $0xb8;
	[tilespmem:$0x15900] =	vst v63  }
0xf4: {  	s21 =	simm.s32 $0x7000  }
0xf5: {  	[hbm4b:s12+s4] =	stream.indirect_vreg.scatter [tilespmem:s21], [sflag:$0x3], $0x80, v12, vm0, $0xb8;
	[tilespmem:$0x15900] =	vst v63  }
0xf6: {  	v12 =	vld [tilespmem:$0x15830];
	_ =	sdelay $0x4  }
0xf7: {  	v42 =	vshll.u32 v12, $0x2  }
0xf8: {  	v12 =	vand.u32 $0x7, v12;
	v13 =	vand.u32 $0xFFFFFFE0, v42  }
0xf9: {  	v12 =	vor.u32 v12, v13  }
0xfa: {  	v13 =	vperm.xlane v12, v7;
	_ =	sdelay $0x1  }
0xfb: {  	v13 =	vadd.s32 v8, v13;
	_ =	sdelay $0x1  }
0xfc: {  	v12 =	vperm.xlane v12, v9;
	_ =	sdelay $0x1  }
0xfd: {  	s11 =	simm.s32 $0x7800;
	v12 =	vadd.s32 v8, v12  }
0xfe: {  	[hbm4b:s2+s4] =	stream.indirect_vreg.scatter [tilespmem:s11], [sflag:$0x3], $0x80, v13, vm0, $0xb8;
	[tilespmem:$0x15900] =	vst v63  }
0xff: {  	s22 =	simm.s32 $0x8000  }
0x100: {  	[hbm4b:s12+s4] =	stream.indirect_vreg.scatter [tilespmem:s22], [sflag:$0x3], $0x80, v13, vm0, $0xb8;
	[tilespmem:$0x15900] =	vst v63  }
0x101: {  	s23 =	simm.s32 $0x8800  }
0x102: {  	[hbm4b:s2+s4] =	stream.indirect_vreg.scatter [tilespmem:s23], [sflag:$0x3], $0x80, v12, vm0, $0xb8;
	[tilespmem:$0x15900] =	vst v63  }
0x103: {  	s24 =	simm.s32 $0x9000  }
0x104: {  	[hbm4b:s12+s4] =	stream.indirect_vreg.scatter [tilespmem:s24], [sflag:$0x3], $0x80, v12, vm0, $0xb8;
	[tilespmem:$0x15900] =	vst v63  }
0x105: {  	v12 =	vld.msk [tilespmem:$0x15840], $0x1ff;
	_ =	sdelay $0x4  }
0x106: {  	v43 =	vshll.u32 v12, $0x2  }
0x107: {  	v12 =	vand.u32 $0x7, v12;
	v13 =	vand.u32 $0xFFFFFFE0, v43  }
0x108: {  	v12 =	vor.u32 v12, v13  }
0x109: {  	v13 =	vperm.xlane v12, v7;
	_ =	sdelay $0x1  }
0x10a: {  	v13 =	vadd.s32 v8, v13;
	_ =	sdelay $0x1  }
0x10b: {  	v12 =	vperm.xlane v12, v9;
	_ =	sdelay $0x1  }
0x10c: {  	s25 =	simm.s32 $0x9800;
	v12 =	vadd.s32 v8, v12  }
0x10d: {  	[hbm4b:s2+s4] =	stream.indirect_vreg.scatter [tilespmem:s25], [sflag:$0x3], $0x80, v13, vm0, $0xb8;
	[tilespmem:$0x15900] =	vst v63  }
0x10e: {  	s26 =	simm.s32 $0xA000  }
0x10f: {  	[hbm4b:s12+s4] =	stream.indirect_vreg.scatter [tilespmem:s26], [sflag:$0x3], $0x80, v13, vm0, $0xb8;
	[tilespmem:$0x15900] =	vst v63  }
0x110: {  	s28 =	simm.s32 $0xA800  }
0x111: {  	[hbm4b:s2+s4] =	stream.indirect_vreg.scatter [tilespmem:s28], [sflag:$0x3], $0x80, v12, vm1, $0xb8;
	[tilespmem:$0x15900] =	vst v63  }
0x112: {  	s30 =	simm.s32 $0xB000  }
0x113: {  	[hbm4b:s12+s4] =	stream.indirect_vreg.scatter [tilespmem:s30], [sflag:$0x3], $0x80, v12, vm1, $0xb8;
	[tilespmem:$0x15900] =	vst v63  }
0x114: {  	s12 =	simm.s32 $0x3  }
0x115: {  	_ =	swait.ge [sflag:s12], $0x9200  }
0x116: {  	[sflag:s12] =	ssyncset.done $0x0  }
0x117: {  	[sflag:s12] =	ssyncadd.s32 $0xFFFF6E00  }
0x118: {  	v44 =	vld [tilespmem:s0+$0xFFFFFF40];
	_ =	sdelay $0x4  }
0x119: {  	v45 =	vshll.u32 v44, $0x2  }
0x11a: {  	v12 =	vand.u32 $0x7, v44;
	v13 =	vand.u32 $0xFFFFFFE0, v45  }
0x11b: {  	v12 =	vor.u32 v12, v13  }
0x11c: {  	v13 =	vperm.xlane v12, v7;
	_ =	sdelay $0x1  }
0x11d: {  	v13 =	vadd.s32 v8, v13;
	_ =	sdelay $0x1  }
0x11e: {  	v12 =	vperm.xlane v12, v9;
	_ =	sdelay $0x1  }
0x11f: {  	v12 =	vadd.s32 v8, v12  }
0x120: {  	[tilespmem:s9], [sflag:$0x1] =	stream.indirect_vreg.gather [hbm4b:s3+s4], $0x80, v13, vm0, $0xb8;
	[tilespmem:$0x15900] =	vst v63  }
0x121: {  	_ = 	snop  }
0x122: {  	[tilespmem:s10], [sflag:$0x1] =	stream.indirect_vreg.gather [hbm4b:s6+s4], $0x80, v13, vm0, $0xb8;
	[tilespmem:$0x15900] =	vst v63  }
0x123: {  	_ = 	snop  }
0x124: {  	[tilespmem:s7], [sflag:$0x1] =	stream.indirect_vreg.gather [hbm4b:s3+s4], $0x80, v12, vm0, $0xb8;
	[tilespmem:$0x15900] =	vst v63  }
0x125: {  	_ = 	snop  }
0x126: {  	[tilespmem:s8], [sflag:$0x1] =	stream.indirect_vreg.gather [hbm4b:s6+s4], $0x80, v12, vm0, $0xb8;
	[tilespmem:$0x15900] =	vst v63  }
0x127: {  	v12 =	vld [tilespmem:s0+$0xFFFFFF50];
	_ =	sdelay $0x4  }
0x128: {  	v46 =	vshll.u32 v12, $0x2  }
0x129: {  	v12 =	vand.u32 $0x7, v12;
	v13 =	vand.u32 $0xFFFFFFE0, v46  }
0x12a: {  	v12 =	vor.u32 v12, v13  }
0x12b: {  	v13 =	vperm.xlane v12, v7;
	_ =	sdelay $0x1  }
0x12c: {  	v13 =	vadd.s32 v8, v13;
	_ =	sdelay $0x1  }
0x12d: {  	v12 =	vperm.xlane v12, v9;
	_ =	sdelay $0x1  }
0x12e: {  	v12 =	vadd.s32 v8, v12  }
0x12f: {  	[tilespmem:s14], [sflag:$0x1] =	stream.indirect_vreg.gather [hbm4b:s3+s4], $0x80, v13, vm0, $0xb8;
	[tilespmem:$0x15900] =	vst v63  }
0x130: {  	_ = 	snop  }
0x131: {  	[tilespmem:s15], [sflag:$0x1] =	stream.indirect_vreg.gather [hbm4b:s6+s4], $0x80, v13, vm0, $0xb8;
	[tilespmem:$0x15900] =	vst v63  }
0x132: {  	_ = 	snop  }
0x133: {  	[tilespmem:s16], [sflag:$0x1] =	stream.indirect_vreg.gather [hbm4b:s3+s4], $0x80, v12, vm0, $0xb8;
	[tilespmem:$0x15900] =	vst v63  }
0x134: {  	_ = 	snop  }
0x135: {  	[tilespmem:s17], [sflag:$0x1] =	stream.indirect_vreg.gather [hbm4b:s6+s4], $0x80, v12, vm0, $0xb8;
	[tilespmem:$0x15900] =	vst v63  }
0x136: {  	v12 =	vld [tilespmem:s0+$0xFFFFFF60];
	_ =	sdelay $0x4  }
0x137: {  	v47 =	vshll.u32 v12, $0x2  }
0x138: {  	v12 =	vand.u32 $0x7, v12;
	v13 =	vand.u32 $0xFFFFFFE0, v47  }
0x139: {  	v12 =	vor.u32 v12, v13  }
0x13a: {  	v13 =	vperm.xlane v12, v7;
	_ =	sdelay $0x1  }
0x13b: {  	v13 =	vadd.s32 v8, v13;
	_ =	sdelay $0x1  }
0x13c: {  	v12 =	vperm.xlane v12, v9;
	_ =	sdelay $0x1  }
0x13d: {  	v12 =	vadd.s32 v8, v12  }
0x13e: {  	[tilespmem:s18], [sflag:$0x1] =	stream.indirect_vreg.gather [hbm4b:s3+s4], $0x80, v13, vm0, $0xb8;
	[tilespmem:$0x15900] =	vst v63  }
0x13f: {  	_ = 	snop  }
0x140: {  	[tilespmem:s19], [sflag:$0x1] =	stream.indirect_vreg.gather [hbm4b:s6+s4], $0x80, v13, vm0, $0xb8;
	[tilespmem:$0x15900] =	vst v63  }
0x141: {  	_ = 	snop  }
0x142: {  	[tilespmem:s20], [sflag:$0x1] =	stream.indirect_vreg.gather [hbm4b:s3+s4], $0x80, v12, vm0, $0xb8;
	[tilespmem:$0x15900] =	vst v63  }
0x143: {  	_ = 	snop  }
0x144: {  	[tilespmem:s21], [sflag:$0x1] =	stream.indirect_vreg.gather [hbm4b:s6+s4], $0x80, v12, vm0, $0xb8;
	[tilespmem:$0x15900] =	vst v63  }
0x145: {  	v12 =	vld [tilespmem:s0+$0xFFFFFF70];
	_ =	sdelay $0x4  }
0x146: {  	v48 =	vshll.u32 v12, $0x2  }
0x147: {  	v12 =	vand.u32 $0x7, v12;
	v13 =	vand.u32 $0xFFFFFFE0, v48  }
0x148: {  	v12 =	vor.u32 v12, v13  }
0x149: {  	v13 =	vperm.xlane v12, v7;
	_ =	sdelay $0x1  }
0x14a: {  	v13 =	vadd.s32 v8, v13;
	_ =	sdelay $0x1  }
0x14b: {  	v12 =	vperm.xlane v12, v9;
	_ =	sdelay $0x1  }
0x14c: {  	v12 =	vadd.s32 v8, v12  }
0x14d: {  	[tilespmem:s11], [sflag:$0x1] =	stream.indirect_vreg.gather [hbm4b:s3+s4], $0x80, v13, vm0, $0xb8;
	[tilespmem:$0x15900] =	vst v63  }
0x14e: {  	_ = 	snop  }
0x14f: {  	[tilespmem:s22], [sflag:$0x1] =	stream.indirect_vreg.gather [hbm4b:s6+s4], $0x80, v13, vm0, $0xb8;
	[tilespmem:$0x15900] =	vst v63  }
0x150: {  	_ = 	snop  }
0x151: {  	[tilespmem:s23], [sflag:$0x1] =	stream.indirect_vreg.gather [hbm4b:s3+s4], $0x80, v12, vm0, $0xb8;
	[tilespmem:$0x15900] =	vst v63  }
0x152: {  	_ = 	snop  }
0x153: {  	[tilespmem:s24], [sflag:$0x1] =	stream.indirect_vreg.gather [hbm4b:s6+s4], $0x80, v12, vm0, $0xb8;
	[tilespmem:$0x15900] =	vst v63  }
0x154: {  	v12 =	vld.msk [tilespmem:s0+$0xFFFFFF80], $0x1ff;
	_ =	sdelay $0x4  }
0x155: {  	v49 =	vshll.u32 v12, $0x2  }
0x156: {  	v12 =	vand.u32 $0x7, v12;
	v13 =	vand.u32 $0xFFFFFFE0, v49  }
0x157: {  	v12 =	vor.u32 v12, v13  }
0x158: {  	v13 =	vperm.xlane v12, v7;
	_ =	sdelay $0x1  }
0x159: {  	v13 =	vadd.s32 v8, v13;
	_ =	sdelay $0x1  }
0x15a: {  	v12 =	vperm.xlane v12, v9;
	_ =	sdelay $0x1  }
0x15b: {  	v12 =	vadd.s32 v8, v12  }
0x15c: {  	[tilespmem:s25], [sflag:$0x1] =	stream.indirect_vreg.gather [hbm4b:s3+s4], $0x80, v13, vm0, $0xb8;
	[tilespmem:$0x15900] =	vst v63  }
0x15d: {  	_ = 	snop  }
0x15e: {  	[tilespmem:s26], [sflag:$0x1] =	stream.indirect_vreg.gather [hbm4b:s6+s4], $0x80, v13, vm0, $0xb8;
	[tilespmem:$0x15900] =	vst v63  }
0x15f: {  	_ = 	snop  }
0x160: {  	[tilespmem:s28], [sflag:$0x1] =	stream.indirect_vreg.gather [hbm4b:s3+s4], $0x80, v12, vm1, $0xb8;
	[tilespmem:$0x15900] =	vst v63  }
0x161: {  	s24 =	simm.s32 $0x5  }
0x162: {  	[tilespmem:s30], [sflag:$0x1] =	stream.indirect_vreg.gather [hbm4b:s6+s4], $0x80, v12, vm1, $0xb8;
	[tilespmem:$0x15900] =	vst v63  }
0x163: {  	_ =	swait.ge [sflag:s24], $0x800  }
0x164: {  	[sflag:s24] =	ssyncset.done $0x0  }
0x165: {  	[sflag:s24] =	ssyncadd.s32 $0xFFFFF800  }
0x166: {  	v50 =	vld.msk [tilespmem:$0x15880], $0xf;
	_ =	sdelay $0x4  }
0x167: {  	v51 =	vshll.u32 v50, $0x2  }
0x168: {  	v12 =	vand.u32 $0x7, v50;
	v13 =	vand.u32 $0xFFFFFFE0, v51  }
0x169: {  	v12 =	vor.u32 v12, v13  }
0x16a: {  	v12 =	vperm.xlane v12, v10;
	_ =	sdelay $0x1  }
0x16b: {  	v12 =	vadd.s32 v11, v12;
	_ =	sdelay $0x3  }
0x16c: {  	s12 =	sadd.s32 $0x1400, s2;
	s11 =	simm.s32 $0x2  }
0x16d: {  	[hbm4b:s12+s4] =	stream.indirect_vreg.scatter [tilespmem:s13], [sflag:$0x5], $0x80, v12, vm0, $0xb8;
	[tilespmem:$0x15900] =	vst v63  }
0x16e: {  	_ =	swait.ge [sflag:s11], $0x9200  }
0x16f: {  	[sflag:s11] =	ssyncset.done $0x0  }
0x170: {  	[sflag:s11] =	ssyncadd.s32 $0xFFFF6E00  }
0x171: {  	v52 =	vld [tilespmem:$0x15800];
	_ =	sdelay $0x4  }
0x172: {  	v53 =	vshll.u32 v52, $0x2  }
0x173: {  	v12 =	vand.u32 $0x7, v52;
	v13 =	vand.u32 $0xFFFFFFE0, v53  }
0x174: {  	v12 =	vor.u32 v12, v13  }
0x175: {  	v13 =	vperm.xlane v12, v7;
	_ =	sdelay $0x1  }
0x176: {  	v13 =	vadd.s32 v8, v13;
	_ =	sdelay $0x1  }
0x177: {  	v12 =	vperm.xlane v12, v9;
	_ =	sdelay $0x1  }
0x178: {  	s30 =	simm.s32 $0xB800;
	v12 =	vadd.s32 v8, v12  }
0x179: {  	[hbm4b:s12+s4] =	stream.indirect_vreg.scatter [tilespmem:s30], [sflag:$0x4], $0x80, v13, vm0, $0xb8;
	[tilespmem:$0x15900] =	vst v63  }
0x17a: {  	s31 =	simm.s32 $0xC000;
	s2 =	sadd.s32 $0x1500, s2  }
0x17b: {  	[hbm4b:s2+s4] =	stream.indirect_vreg.scatter [tilespmem:s31], [sflag:$0x4], $0x80, v13, vm0, $0xb8;
	[tilespmem:$0x15900] =	vst v63  }
0x17c: {  	s29 =	simm.s32 $0xC800  }
0x17d: {  	[hbm4b:s12+s4] =	stream.indirect_vreg.scatter [tilespmem:s29], [sflag:$0x4], $0x80, v12, vm0, $0xb8;
	[tilespmem:$0x15900] =	vst v63  }
0x17e: {  	s5 =	simm.s32 $0xD000  }
0x17f: {  	[hbm4b:s2+s4] =	stream.indirect_vreg.scatter [tilespmem:s5], [sflag:$0x4], $0x80, v12, vm0, $0xb8;
	[tilespmem:$0x15900] =	vst v63  }
0x180: {  	v12 =	vld [tilespmem:$0x15810];
	_ =	sdelay $0x4  }
0x181: {  	v54 =	vshll.u32 v12, $0x2  }
0x182: {  	v12 =	vand.u32 $0x7, v12;
	v13 =	vand.u32 $0xFFFFFFE0, v54  }
0x183: {  	v12 =	vor.u32 v12, v13  }
0x184: {  	v13 =	vperm.xlane v12, v7;
	_ =	sdelay $0x1  }
0x185: {  	v13 =	vadd.s32 v8, v13;
	_ =	sdelay $0x1  }
0x186: {  	v12 =	vperm.xlane v12, v9;
	_ =	sdelay $0x1  }
0x187: {  	s9 =	simm.s32 $0xD800;
	v12 =	vadd.s32 v8, v12  }
0x188: {  	[hbm4b:s12+s4] =	stream.indirect_vreg.scatter [tilespmem:s9], [sflag:$0x4], $0x80, v13, vm0, $0xb8;
	[tilespmem:$0x15900] =	vst v63  }
0x189: {  	s10 =	simm.s32 $0xE000  }
0x18a: {  	[hbm4b:s2+s4] =	stream.indirect_vreg.scatter [tilespmem:s10], [sflag:$0x4], $0x80, v13, vm0, $0xb8;
	[tilespmem:$0x15900] =	vst v63  }
0x18b: {  	s7 =	simm.s32 $0xE800  }
0x18c: {  	[hbm4b:s12+s4] =	stream.indirect_vreg.scatter [tilespmem:s7], [sflag:$0x4], $0x80, v12, vm0, $0xb8;
	[tilespmem:$0x15900] =	vst v63  }
0x18d: {  	s8 =	simm.s32 $0xF000  }
0x18e: {  	[hbm4b:s2+s4] =	stream.indirect_vreg.scatter [tilespmem:s8], [sflag:$0x4], $0x80, v12, vm0, $0xb8;
	[tilespmem:$0x15900] =	vst v63  }
0x18f: {  	v12 =	vld [tilespmem:$0x15820];
	_ =	sdelay $0x4  }
0x190: {  	v55 =	vshll.u32 v12, $0x2  }
0x191: {  	v12 =	vand.u32 $0x7, v12;
	v13 =	vand.u32 $0xFFFFFFE0, v55  }
0x192: {  	v12 =	vor.u32 v12, v13  }
0x193: {  	v13 =	vperm.xlane v12, v7;
	_ =	sdelay $0x1  }
0x194: {  	v13 =	vadd.s32 v8, v13;
	_ =	sdelay $0x1  }
0x195: {  	v12 =	vperm.xlane v12, v9;
	_ =	sdelay $0x1  }
0x196: {  	s14 =	simm.s32 $0xF800;
	v12 =	vadd.s32 v8, v12  }
0x197: {  	[hbm4b:s12+s4] =	stream.indirect_vreg.scatter [tilespmem:s14], [sflag:$0x4], $0x80, v13, vm0, $0xb8;
	[tilespmem:$0x15900] =	vst v63  }
0x198: {  	s15 =	simm.s32 $0x10000  }
0x199: {  	[hbm4b:s2+s4] =	stream.indirect_vreg.scatter [tilespmem:s15], [sflag:$0x4], $0x80, v13, vm0, $0xb8;
	[tilespmem:$0x15900] =	vst v63  }
0x19a: {  	s16 =	simm.s32 $0x10800  }
0x19b: {  	[hbm4b:s12+s4] =	stream.indirect_vreg.scatter [tilespmem:s16], [sflag:$0x4], $0x80, v12, vm0, $0xb8;
	[tilespmem:$0x15900] =	vst v63  }
0x19c: {  	s17 =	simm.s32 $0x11000  }
0x19d: {  	[hbm4b:s2+s4] =	stream.indirect_vreg.scatter [tilespmem:s17], [sflag:$0x4], $0x80, v12, vm0, $0xb8;
	[tilespmem:$0x15900] =	vst v63  }
0x19e: {  	v12 =	vld [tilespmem:$0x15830];
	_ =	sdelay $0x4  }
0x19f: {  	v56 =	vshll.u32 v12, $0x2  }
0x1a0: {  	v12 =	vand.u32 $0x7, v12;
	v13 =	vand.u32 $0xFFFFFFE0, v56  }
0x1a1: {  	v12 =	vor.u32 v12, v13  }
0x1a2: {  	v13 =	vperm.xlane v12, v7;
	_ =	sdelay $0x1  }
0x1a3: {  	v13 =	vadd.s32 v8, v13;
	_ =	sdelay $0x1  }
0x1a4: {  	v12 =	vperm.xlane v12, v9;
	_ =	sdelay $0x1  }
0x1a5: {  	s18 =	simm.s32 $0x11800;
	v12 =	vadd.s32 v8, v12  }
0x1a6: {  	[hbm4b:s12+s4] =	stream.indirect_vreg.scatter [tilespmem:s18], [sflag:$0x4], $0x80, v13, vm0, $0xb8;
	[tilespmem:$0x15900] =	vst v63  }
0x1a7: {  	s19 =	simm.s32 $0x12000  }
0x1a8: {  	[hbm4b:s2+s4] =	stream.indirect_vreg.scatter [tilespmem:s19], [sflag:$0x4], $0x80, v13, vm0, $0xb8;
	[tilespmem:$0x15900] =	vst v63  }
0x1a9: {  	s20 =	simm.s32 $0x12800  }
0x1aa: {  	[hbm4b:s12+s4] =	stream.indirect_vreg.scatter [tilespmem:s20], [sflag:$0x4], $0x80, v12, vm0, $0xb8;
	[tilespmem:$0x15900] =	vst v63  }
0x1ab: {  	s21 =	simm.s32 $0x13000  }
0x1ac: {  	[hbm4b:s2+s4] =	stream.indirect_vreg.scatter [tilespmem:s21], [sflag:$0x4], $0x80, v12, vm0, $0xb8;
	[tilespmem:$0x15900] =	vst v63  }
0x1ad: {  	v12 =	vld.msk [tilespmem:$0x15840], $0x1ff;
	_ =	sdelay $0x4  }
0x1ae: {  	v57 =	vshll.u32 v12, $0x2  }
0x1af: {  	v12 =	vand.u32 $0x7, v12;
	v13 =	vand.u32 $0xFFFFFFE0, v57  }
0x1b0: {  	v12 =	vor.u32 v12, v13  }
0x1b1: {  	v13 =	vperm.xlane v12, v7;
	_ =	sdelay $0x1  }
0x1b2: {  	v13 =	vadd.s32 v8, v13;
	_ =	sdelay $0x1  }
0x1b3: {  	v12 =	vperm.xlane v12, v9;
	_ =	sdelay $0x1  }
0x1b4: {  	s11 =	simm.s32 $0x13800;
	v12 =	vadd.s32 v8, v12  }
0x1b5: {  	[hbm4b:s12+s4] =	stream.indirect_vreg.scatter [tilespmem:s11], [sflag:$0x4], $0x80, v13, vm0, $0xb8;
	[tilespmem:$0x15900] =	vst v63  }
0x1b6: {  	s22 =	simm.s32 $0x14000  }
0x1b7: {  	[hbm4b:s2+s4] =	stream.indirect_vreg.scatter [tilespmem:s22], [sflag:$0x4], $0x80, v13, vm0, $0xb8;
	[tilespmem:$0x15900] =	vst v63  }
0x1b8: {  	s23 =	simm.s32 $0x14800  }
0x1b9: {  	[hbm4b:s12+s4] =	stream.indirect_vreg.scatter [tilespmem:s23], [sflag:$0x4], $0x80, v12, vm1, $0xb8;
	[tilespmem:$0x15900] =	vst v63  }
0x1ba: {  	s13 =	simm.s32 $0x4;
	s12 =	simm.s32 $0x15000  }
0x1bb: {  	[hbm4b:s2+s4] =	stream.indirect_vreg.scatter [tilespmem:s12], [sflag:$0x4], $0x80, v12, vm1, $0xb8;
	[tilespmem:$0x15900] =	vst v63  }
0x1bc: {  	_ =	swait.ge [sflag:s13], $0x9200  }
0x1bd: {  	[sflag:s13] =	ssyncset.done $0x0  }
0x1be: {  	[sflag:s13] =	ssyncadd.s32 $0xFFFF6E00  }
0x1bf: {  	v58 =	vld [tilespmem:s0+$0xFFFFFFC0];
	_ =	sdelay $0x4  }
0x1c0: {  	v59 =	vshll.u32 v58, $0x2  }
0x1c1: {  	v12 =	vand.u32 $0x7, v58;
	v13 =	vand.u32 $0xFFFFFFE0, v59  }
0x1c2: {  	v12 =	vor.u32 v12, v13  }
0x1c3: {  	v13 =	vperm.xlane v12, v7;
	_ =	sdelay $0x1  }
0x1c4: {  	v13 =	vadd.s32 v8, v13;
	_ =	sdelay $0x1  }
0x1c5: {  	v12 =	vperm.xlane v12, v9;
	_ =	sdelay $0x1  }
0x1c6: {  	v12 =	vadd.s32 v8, v12  }
0x1c7: {  	[tilespmem:s30], [sflag:$0x2] =	stream.indirect_vreg.gather [hbm4b:s3+s4], $0x80, v13, vm0, $0xb8;
	[tilespmem:$0x15900] =	vst v63  }
0x1c8: {  	_ = 	snop  }
0x1c9: {  	[tilespmem:s31], [sflag:$0x2] =	stream.indirect_vreg.gather [hbm4b:s6+s4], $0x80, v13, vm0, $0xb8;
	[tilespmem:$0x15900] =	vst v63  }
0x1ca: {  	_ = 	snop  }
0x1cb: {  	[tilespmem:s29], [sflag:$0x2] =	stream.indirect_vreg.gather [hbm4b:s3+s4], $0x80, v12, vm0, $0xb8;
	[tilespmem:$0x15900] =	vst v63  }
0x1cc: {  	_ = 	snop  }
0x1cd: {  	[tilespmem:s5], [sflag:$0x2] =	stream.indirect_vreg.gather [hbm4b:s6+s4], $0x80, v12, vm0, $0xb8;
	[tilespmem:$0x15900] =	vst v63  }
0x1ce: {  	v12 =	vld [tilespmem:s0+$0xFFFFFFD0];
	_ =	sdelay $0x4  }
0x1cf: {  	v60 =	vshll.u32 v12, $0x2  }
0x1d0: {  	v12 =	vand.u32 $0x7, v12;
	v13 =	vand.u32 $0xFFFFFFE0, v60  }
0x1d1: {  	v12 =	vor.u32 v12, v13  }
0x1d2: {  	v13 =	vperm.xlane v12, v7;
	_ =	sdelay $0x1  }
0x1d3: {  	v13 =	vadd.s32 v8, v13;
	_ =	sdelay $0x1  }
0x1d4: {  	v12 =	vperm.xlane v12, v9;
	_ =	sdelay $0x1  }
0x1d5: {  	v12 =	vadd.s32 v8, v12  }
0x1d6: {  	[tilespmem:s9], [sflag:$0x2] =	stream.indirect_vreg.gather [hbm4b:s3+s4], $0x80, v13, vm0, $0xb8;
	[tilespmem:$0x15900] =	vst v63  }
0x1d7: {  	_ = 	snop  }
0x1d8: {  	[tilespmem:s10], [sflag:$0x2] =	stream.indirect_vreg.gather [hbm4b:s6+s4], $0x80, v13, vm0, $0xb8;
	[tilespmem:$0x15900] =	vst v63  }
0x1d9: {  	_ = 	snop  }
0x1da: {  	[tilespmem:s7], [sflag:$0x2] =	stream.indirect_vreg.gather [hbm4b:s3+s4], $0x80, v12, vm0, $0xb8;
	[tilespmem:$0x15900] =	vst v63  }
0x1db: {  	_ = 	snop  }
0x1dc: {  	[tilespmem:s8], [sflag:$0x2] =	stream.indirect_vreg.gather [hbm4b:s6+s4], $0x80, v12, vm0, $0xb8;
	[tilespmem:$0x15900] =	vst v63  }
0x1dd: {  	v12 =	vld [tilespmem:s0+$0xFFFFFFE0];
	_ =	sdelay $0x4  }
0x1de: {  	v61 =	vshll.u32 v12, $0x2  }
0x1df: {  	v12 =	vand.u32 $0x7, v12;
	v13 =	vand.u32 $0xFFFFFFE0, v61  }
0x1e0: {  	v12 =	vor.u32 v12, v13  }
0x1e1: {  	v13 =	vperm.xlane v12, v7;
	_ =	sdelay $0x1  }
0x1e2: {  	v13 =	vadd.s32 v8, v13;
	_ =	sdelay $0x1  }
0x1e3: {  	v12 =	vperm.xlane v12, v9;
	_ =	sdelay $0x1  }
0x1e4: {  	v12 =	vadd.s32 v8, v12  }
0x1e5: {  	[tilespmem:s14], [sflag:$0x2] =	stream.indirect_vreg.gather [hbm4b:s3+s4], $0x80, v13, vm0, $0xb8;
	[tilespmem:$0x15900] =	vst v63  }
0x1e6: {  	_ = 	snop  }
0x1e7: {  	[tilespmem:s15], [sflag:$0x2] =	stream.indirect_vreg.gather [hbm4b:s6+s4], $0x80, v13, vm0, $0xb8;
	[tilespmem:$0x15900] =	vst v63  }
0x1e8: {  	_ = 	snop  }
0x1e9: {  	[tilespmem:s16], [sflag:$0x2] =	stream.indirect_vreg.gather [hbm4b:s3+s4], $0x80, v12, vm0, $0xb8;
	[tilespmem:$0x15900] =	vst v63  }
0x1ea: {  	_ = 	snop  }
0x1eb: {  	[tilespmem:s17], [sflag:$0x2] =	stream.indirect_vreg.gather [hbm4b:s6+s4], $0x80, v12, vm0, $0xb8;
	[tilespmem:$0x15900] =	vst v63  }
0x1ec: {  	v12 =	vld [tilespmem:s0+$0xFFFFFFF0];
	_ =	sdelay $0x4  }
0x1ed: {  	v62 =	vshll.u32 v12, $0x2  }
0x1ee: {  	v12 =	vand.u32 $0x7, v12;
	v13 =	vand.u32 $0xFFFFFFE0, v62  }
0x1ef: {  	v12 =	vor.u32 v12, v13  }
0x1f0: {  	v13 =	vperm.xlane v12, v7;
	_ =	sdelay $0x1  }
0x1f1: {  	v13 =	vadd.s32 v8, v13;
	_ =	sdelay $0x1  }
0x1f2: {  	v12 =	vperm.xlane v12, v9;
	_ =	sdelay $0x1  }
0x1f3: {  	v12 =	vadd.s32 v8, v12  }
0x1f4: {  	[tilespmem:s18], [sflag:$0x2] =	stream.indirect_vreg.gather [hbm4b:s3+s4], $0x80, v13, vm0, $0xb8;
	[tilespmem:$0x15900] =	vst v63  }
0x1f5: {  	_ = 	snop  }
0x1f6: {  	[tilespmem:s19], [sflag:$0x2] =	stream.indirect_vreg.gather [hbm4b:s6+s4], $0x80, v13, vm0, $0xb8;
	[tilespmem:$0x15900] =	vst v63  }
0x1f7: {  	_ = 	snop  }
0x1f8: {  	[tilespmem:s20], [sflag:$0x2] =	stream.indirect_vreg.gather [hbm4b:s3+s4], $0x80, v12, vm0, $0xb8;
	[tilespmem:$0x15900] =	vst v63  }
0x1f9: {  	_ = 	snop  }
0x1fa: {  	[tilespmem:s21], [sflag:$0x2] =	stream.indirect_vreg.gather [hbm4b:s6+s4], $0x80, v12, vm0, $0xb8;
	[tilespmem:$0x15900] =	vst v63  }
0x1fb: {  	v12 =	vld.msk [tilespmem:s0+$0x0], $0x1ff;
	_ =	sdelay $0x4  }
0x1fc: {  	v63 =	vshll.u32 v12, $0x2  }
0x1fd: {  	v12 =	vand.u32 $0x7, v12;
	v13 =	vand.u32 $0xFFFFFFE0, v63  }
0x1fe: {  	v12 =	vor.u32 v12, v13  }
0x1ff: {  	v13 =	vperm.xlane v12, v7;
	_ =	sdelay $0x1  }
0x200: {  	v13 =	vadd.s32 v8, v13  }
0x201: {  	p0 =	sne.s32 s1, $0x23000;
	s1 =	sadd.s32 $0x2800, s1;
	s25 =	simm.s32 $0xA000  }
0x202: {  	s26 =	simm.s32 $0xA800;
	s28 =	simm.s32 $0xB000;
	s13 =	simm.s32 $0xB800;
	v12 =	vperm.xlane v12, v9  }
0x203: {  	s30 =	simm.s32 $0xC000;
	s31 =	simm.s32 $0xC800;
	s29 =	simm.s32 $0xD000  }
0x204: {  	s5 =	simm.s32 $0xD800;
	s9 =	simm.s32 $0xE000;
	s10 =	simm.s32 $0xE800;
	v12 =	vadd.s32 v8, v12  }
0x205: {  	[tilespmem:s11], [sflag:$0x2] =	stream.indirect_vreg.gather [hbm4b:s3+s4], $0x80, v13, vm0, $0xb8;
	[tilespmem:$0x15900] =	vst v63  }
0x206: {  	s7 =	simm.s32 $0xF000;
	s8 =	simm.s32 $0xF800;
	s14 =	simm.s32 $0x10000  }
0x207: {  	[tilespmem:s22], [sflag:$0x2] =	stream.indirect_vreg.gather [hbm4b:s6+s4], $0x80, v13, vm0, $0xb8;
	[tilespmem:$0x15900] =	vst v63  }
0x208: {  	s15 =	simm.s32 $0x10800;
	s16 =	simm.s32 $0x11000;
	s17 =	simm.s32 $0x11800  }
0x209: {  	[tilespmem:s23], [sflag:$0x2] =	stream.indirect_vreg.gather [hbm4b:s3+s4], $0x80, v12, vm1, $0xb8;
	[tilespmem:$0x15900] =	vst v63  }
.Ltmp0:
0x20a: {  	s18 =	simm.s32 $0x12000;
	s19 =	simm.s32 $0x12800;
	(pc) =	sbr.rel @p0 .LBB2_2-.Ltmp0, $4  }
0x20b: {  	[tilespmem:s12], [sflag:$0x2] =	stream.indirect_vreg.gather [hbm4b:s6+s4], $0x80, v12, vm1, $0xb8;
	[tilespmem:$0x15900] =	vst v63  }
0x20c: {  	s20 =	simm.s32 $0x13000;
	s21 =	simm.s32 $0x13800;
	_ =	swait.ge [sflag:s24], $0x800  }
0x20d: {  	s0 =	sadd.s32 $0x100, s0;
	s11 =	simm.s32 $0x14000;
	[sflag:s24] =	ssyncset.done $0x0  }
0x20e: {  	s22 =	simm.s32 $0x14800;
	s23 =	simm.s32 $0x15000;
	[sflag:s24] =	ssyncadd.s32 $0xFFFFF800  }
0x20f: {  	v12 =	vld.msk [tilespmem:$0x15880], $0xf;
	_ =	sdelay $0x4  }
0x210: {  	v13 =	vshll.u32 v12, $0x2  }
0x211: {  	v12 =	vand.u32 $0x7, v12;
	v13 =	vand.u32 $0xFFFFFFE0, v13  }
0x212: {  	v12 =	vor.u32 v12, v13  }
0x213: {  	v12 =	vperm.xlane v12, v10;
	_ =	sdelay $0x1  }
0x214: {  	v12 =	vadd.s32 v11, v12;
	_ =	sdelay $0x3  }
0x215: {  	s1 =	rddreg [dreg:$0x7];
	s12 =	simm.s32 $0x1000;
	s0 =	simm.s32 $0x1  }
0x216: {  	[hbm4b:s1+s4] =	stream.indirect_vreg.scatter [tilespmem:s12], [sflag:$0x5], $0x80, v12, vm0, $0xb8;
	[tilespmem:$0x15900] =	vst v63  }
0x217: {  	_ =	swait.ge [sflag:s0], $0x9200  }
0x218: {  	[sflag:s0] =	ssyncset.done $0x0  }
0x219: {  	[sflag:s0] =	ssyncadd.s32 $0xFFFF6E00  }
0x21a: {  	v50 =	vld [tilespmem:$0x15800];
	_ =	sdelay $0x4  }
0x21b: {  	v51 =	vshll.u32 v50, $0x2  }
0x21c: {  	v12 =	vand.u32 $0x7, v50;
	v13 =	vand.u32 $0xFFFFFFE0, v51  }
0x21d: {  	v12 =	vor.u32 v12, v13  }
0x21e: {  	v13 =	vperm.xlane v12, v7;
	_ =	sdelay $0x1  }
0x21f: {  	v13 =	vadd.s32 v8, v13;
	_ =	sdelay $0x1  }
0x220: {  	v12 =	vperm.xlane v12, v9;
	_ =	sdelay $0x1  }
0x221: {  	s2 =	simm.s32 $0x1800;
	v12 =	vadd.s32 v8, v12  }
0x222: {  	[hbm4b:s1+s4] =	stream.indirect_vreg.scatter [tilespmem:s2], [sflag:$0x3], $0x80, v13, vm0, $0xb8;
	[tilespmem:$0x15900] =	vst v63  }
0x223: {  	s0 =	sadd.s32 $0x100, s1;
	s2 =	simm.s32 $0x2000  }
0x224: {  	[hbm4b:s0+s4] =	stream.indirect_vreg.scatter [tilespmem:s2], [sflag:$0x3], $0x80, v13, vm0, $0xb8;
	[tilespmem:$0x15900] =	vst v63  }
0x225: {  	s24 =	simm.s32 $0x2800  }
0x226: {  	[hbm4b:s1+s4] =	stream.indirect_vreg.scatter [tilespmem:s24], [sflag:$0x3], $0x80, v12, vm0, $0xb8;
	[tilespmem:$0x15900] =	vst v63  }
0x227: {  	s24 =	simm.s32 $0x3000  }
0x228: {  	[hbm4b:s0+s4] =	stream.indirect_vreg.scatter [tilespmem:s24], [sflag:$0x3], $0x80, v12, vm0, $0xb8;
	[tilespmem:$0x15900] =	vst v63  }
0x229: {  	v12 =	vld [tilespmem:$0x15810];
	_ =	sdelay $0x4  }
0x22a: {  	v52 =	vshll.u32 v12, $0x2  }
0x22b: {  	v12 =	vand.u32 $0x7, v12;
	v13 =	vand.u32 $0xFFFFFFE0, v52  }
0x22c: {  	v12 =	vor.u32 v12, v13  }
0x22d: {  	v13 =	vperm.xlane v12, v7;
	_ =	sdelay $0x1  }
0x22e: {  	v13 =	vadd.s32 v8, v13;
	_ =	sdelay $0x1  }
0x22f: {  	v12 =	vperm.xlane v12, v9;
	_ =	sdelay $0x1  }
0x230: {  	s24 =	simm.s32 $0x3800;
	v12 =	vadd.s32 v8, v12  }
0x231: {  	[hbm4b:s1+s4] =	stream.indirect_vreg.scatter [tilespmem:s24], [sflag:$0x3], $0x80, v13, vm0, $0xb8;
	[tilespmem:$0x15900] =	vst v63  }
0x232: {  	s24 =	simm.s32 $0x4000  }
0x233: {  	[hbm4b:s0+s4] =	stream.indirect_vreg.scatter [tilespmem:s24], [sflag:$0x3], $0x80, v13, vm0, $0xb8;
	[tilespmem:$0x15900] =	vst v63  }
0x234: {  	s24 =	simm.s32 $0x4800  }
0x235: {  	[hbm4b:s1+s4] =	stream.indirect_vreg.scatter [tilespmem:s24], [sflag:$0x3], $0x80, v12, vm0, $0xb8;
	[tilespmem:$0x15900] =	vst v63  }
0x236: {  	s24 =	simm.s32 $0x5000  }
0x237: {  	[hbm4b:s0+s4] =	stream.indirect_vreg.scatter [tilespmem:s24], [sflag:$0x3], $0x80, v12, vm0, $0xb8;
	[tilespmem:$0x15900] =	vst v63  }
0x238: {  	v12 =	vld [tilespmem:$0x15820];
	_ =	sdelay $0x4  }
0x239: {  	v53 =	vshll.u32 v12, $0x2  }
0x23a: {  	v12 =	vand.u32 $0x7, v12;
	v13 =	vand.u32 $0xFFFFFFE0, v53  }
0x23b: {  	v12 =	vor.u32 v12, v13  }
0x23c: {  	v13 =	vperm.xlane v12, v7;
	_ =	sdelay $0x1  }
0x23d: {  	v13 =	vadd.s32 v8, v13;
	_ =	sdelay $0x1  }
0x23e: {  	v12 =	vperm.xlane v12, v9;
	_ =	sdelay $0x1  }
0x23f: {  	s24 =	simm.s32 $0x5800;
	v12 =	vadd.s32 v8, v12  }
0x240: {  	[hbm4b:s1+s4] =	stream.indirect_vreg.scatter [tilespmem:s24], [sflag:$0x3], $0x80, v13, vm0, $0xb8;
	[tilespmem:$0x15900] =	vst v63  }
0x241: {  	s24 =	simm.s32 $0x6000  }
0x242: {  	[hbm4b:s0+s4] =	stream.indirect_vreg.scatter [tilespmem:s24], [sflag:$0x3], $0x80, v13, vm0, $0xb8;
	[tilespmem:$0x15900] =	vst v63  }
0x243: {  	s24 =	simm.s32 $0x6800  }
0x244: {  	[hbm4b:s1+s4] =	stream.indirect_vreg.scatter [tilespmem:s24], [sflag:$0x3], $0x80, v12, vm0, $0xb8;
	[tilespmem:$0x15900] =	vst v63  }
0x245: {  	s24 =	simm.s32 $0x7000  }
0x246: {  	[hbm4b:s0+s4] =	stream.indirect_vreg.scatter [tilespmem:s24], [sflag:$0x3], $0x80, v12, vm0, $0xb8;
	[tilespmem:$0x15900] =	vst v63  }
0x247: {  	v12 =	vld [tilespmem:$0x15830];
	_ =	sdelay $0x4  }
0x248: {  	v54 =	vshll.u32 v12, $0x2  }
0x249: {  	v12 =	vand.u32 $0x7, v12;
	v13 =	vand.u32 $0xFFFFFFE0, v54  }
0x24a: {  	v12 =	vor.u32 v12, v13  }
0x24b: {  	v13 =	vperm.xlane v12, v7;
	_ =	sdelay $0x1  }
0x24c: {  	v13 =	vadd.s32 v8, v13;
	_ =	sdelay $0x1  }
0x24d: {  	v12 =	vperm.xlane v12, v9;
	_ =	sdelay $0x1  }
0x24e: {  	s24 =	simm.s32 $0x7800;
	v12 =	vadd.s32 v8, v12  }
0x24f: {  	[hbm4b:s1+s4] =	stream.indirect_vreg.scatter [tilespmem:s24], [sflag:$0x3], $0x80, v13, vm0, $0xb8;
	[tilespmem:$0x15900] =	vst v63  }
0x250: {  	s24 =	simm.s32 $0x8000  }
0x251: {  	[hbm4b:s0+s4] =	stream.indirect_vreg.scatter [tilespmem:s24], [sflag:$0x3], $0x80, v13, vm0, $0xb8;
	[tilespmem:$0x15900] =	vst v63  }
0x252: {  	s24 =	simm.s32 $0x8800  }
0x253: {  	[hbm4b:s1+s4] =	stream.indirect_vreg.scatter [tilespmem:s24], [sflag:$0x3], $0x80, v12, vm0, $0xb8;
	[tilespmem:$0x15900] =	vst v63  }
0x254: {  	s24 =	simm.s32 $0x9000  }
0x255: {  	[hbm4b:s0+s4] =	stream.indirect_vreg.scatter [tilespmem:s24], [sflag:$0x3], $0x80, v12, vm0, $0xb8;
	[tilespmem:$0x15900] =	vst v63  }
0x256: {  	v12 =	vld.msk [tilespmem:$0x15840], $0x1ff;
	_ =	sdelay $0x4  }
0x257: {  	v55 =	vshll.u32 v12, $0x2  }
0x258: {  	v12 =	vand.u32 $0x7, v12;
	v13 =	vand.u32 $0xFFFFFFE0, v55  }
0x259: {  	v12 =	vor.u32 v12, v13  }
0x25a: {  	v13 =	vperm.xlane v12, v7;
	_ =	sdelay $0x1  }
0x25b: {  	v13 =	vadd.s32 v8, v13;
	_ =	sdelay $0x1  }
0x25c: {  	v12 =	vperm.xlane v12, v9;
	_ =	sdelay $0x1  }
0x25d: {  	s24 =	simm.s32 $0x9800;
	v12 =	vadd.s32 v8, v12  }
0x25e: {  	[hbm4b:s1+s4] =	stream.indirect_vreg.scatter [tilespmem:s24], [sflag:$0x3], $0x80, v13, vm0, $0xb8;
	[tilespmem:$0x15900] =	vst v63  }
0x25f: {  	_ = 	snop  }
0x260: {  	[hbm4b:s0+s4] =	stream.indirect_vreg.scatter [tilespmem:s25], [sflag:$0x3], $0x80, v13, vm0, $0xb8;
	[tilespmem:$0x15900] =	vst v63  }
0x261: {  	_ = 	snop  }
0x262: {  	[hbm4b:s1+s4] =	stream.indirect_vreg.scatter [tilespmem:s26], [sflag:$0x3], $0x80, v12, vm1, $0xb8;
	[tilespmem:$0x15900] =	vst v63  }
0x263: {  	s2 =	simm.s32 $0x3  }
0x264: {  	[hbm4b:s0+s4] =	stream.indirect_vreg.scatter [tilespmem:s28], [sflag:$0x3], $0x80, v12, vm1, $0xb8;
	[tilespmem:$0x15900] =	vst v63  }
0x265: {  	_ =	swait.ge [sflag:s2], $0x9200  }
0x266: {  	[sflag:s2] =	ssyncset.done $0x0  }
0x267: {  	s24 =	simm.s32 $0x5;
	[sflag:s2] =	ssyncadd.s32 $0xFFFF6E00  }
0x268: {  	_ =	swait.ge [sflag:s24], $0x800  }
0x269: {  	[sflag:s24] =	ssyncset.done $0x0  }
0x26a: {  	[sflag:s24] =	ssyncadd.s32 $0xFFFFF800  }
0x26b: {  	v56 =	vld.msk [tilespmem:$0x15880], $0xf;
	_ =	sdelay $0x4  }
0x26c: {  	v57 =	vshll.u32 v56, $0x2  }
0x26d: {  	v12 =	vand.u32 $0x7, v56;
	v13 =	vand.u32 $0xFFFFFFE0, v57  }
0x26e: {  	v12 =	vor.u32 v12, v13  }
0x26f: {  	v12 =	vperm.xlane v12, v10;
	_ =	sdelay $0x1  }
0x270: {  	v12 =	vadd.s32 v11, v12;
	_ =	sdelay $0x3  }
0x271: {  	s1 =	rddreg [dreg:$0x8]  }
0x272: {  	[hbm4b:s1+s4] =	stream.indirect_vreg.scatter [tilespmem:s12], [sflag:$0x5], $0x80, v12, vm0, $0xb8;
	[tilespmem:$0x15900] =	vst v63  }
0x273: {  	s12 =	simm.s32 $0x2  }
0x274: {  	_ =	swait.ge [sflag:s12], $0x9200  }
0x275: {  	[sflag:s12] =	ssyncset.done $0x0  }
0x276: {  	[sflag:s12] =	ssyncadd.s32 $0xFFFF6E00  }
0x277: {  	v58 =	vld [tilespmem:$0x15800];
	_ =	sdelay $0x4  }
0x278: {  	v59 =	vshll.u32 v58, $0x2  }
0x279: {  	v12 =	vand.u32 $0x7, v58;
	v13 =	vand.u32 $0xFFFFFFE0, v59  }
0x27a: {  	v12 =	vor.u32 v12, v13  }
0x27b: {  	v13 =	vperm.xlane v12, v7;
	_ =	sdelay $0x1  }
0x27c: {  	v13 =	vadd.s32 v8, v13;
	_ =	sdelay $0x1  }
0x27d: {  	v12 =	vperm.xlane v12, v9;
	_ =	sdelay $0x1  }
0x27e: {  	v12 =	vadd.s32 v8, v12  }
0x27f: {  	[hbm4b:s1+s4] =	stream.indirect_vreg.scatter [tilespmem:s13], [sflag:$0x4], $0x80, v13, vm0, $0xb8;
	[tilespmem:$0x15900] =	vst v63  }
0x280: {  	s12 =	sadd.s32 $0x100, s1  }
0x281: {  	[hbm4b:s12+s4] =	stream.indirect_vreg.scatter [tilespmem:s30], [sflag:$0x4], $0x80, v13, vm0, $0xb8;
	[tilespmem:$0x15900] =	vst v63  }
0x282: {  	_ = 	snop  }
0x283: {  	[hbm4b:s1+s4] =	stream.indirect_vreg.scatter [tilespmem:s31], [sflag:$0x4], $0x80, v12, vm0, $0xb8;
	[tilespmem:$0x15900] =	vst v63  }
0x284: {  	_ = 	snop  }
0x285: {  	[hbm4b:s12+s4] =	stream.indirect_vreg.scatter [tilespmem:s29], [sflag:$0x4], $0x80, v12, vm0, $0xb8;
	[tilespmem:$0x15900] =	vst v63  }
0x286: {  	v12 =	vld [tilespmem:$0x15810];
	_ =	sdelay $0x4  }
0x287: {  	v60 =	vshll.u32 v12, $0x2  }
0x288: {  	v12 =	vand.u32 $0x7, v12;
	v13 =	vand.u32 $0xFFFFFFE0, v60  }
0x289: {  	v12 =	vor.u32 v12, v13  }
0x28a: {  	v13 =	vperm.xlane v12, v7;
	_ =	sdelay $0x1  }
0x28b: {  	v13 =	vadd.s32 v8, v13;
	_ =	sdelay $0x1  }
0x28c: {  	v12 =	vperm.xlane v12, v9;
	_ =	sdelay $0x1  }
0x28d: {  	v12 =	vadd.s32 v8, v12  }
0x28e: {  	[hbm4b:s1+s4] =	stream.indirect_vreg.scatter [tilespmem:s5], [sflag:$0x4], $0x80, v13, vm0, $0xb8;
	[tilespmem:$0x15900] =	vst v63  }
0x28f: {  	_ = 	snop  }
0x290: {  	[hbm4b:s12+s4] =	stream.indirect_vreg.scatter [tilespmem:s9], [sflag:$0x4], $0x80, v13, vm0, $0xb8;
	[tilespmem:$0x15900] =	vst v63  }
0x291: {  	_ = 	snop  }
0x292: {  	[hbm4b:s1+s4] =	stream.indirect_vreg.scatter [tilespmem:s10], [sflag:$0x4], $0x80, v12, vm0, $0xb8;
	[tilespmem:$0x15900] =	vst v63  }
0x293: {  	_ = 	snop  }
0x294: {  	[hbm4b:s12+s4] =	stream.indirect_vreg.scatter [tilespmem:s7], [sflag:$0x4], $0x80, v12, vm0, $0xb8;
	[tilespmem:$0x15900] =	vst v63  }
0x295: {  	v12 =	vld [tilespmem:$0x15820];
	_ =	sdelay $0x4  }
0x296: {  	v61 =	vshll.u32 v12, $0x2  }
0x297: {  	v12 =	vand.u32 $0x7, v12;
	v13 =	vand.u32 $0xFFFFFFE0, v61  }
0x298: {  	v12 =	vor.u32 v12, v13  }
0x299: {  	v13 =	vperm.xlane v12, v7;
	_ =	sdelay $0x1  }
0x29a: {  	v13 =	vadd.s32 v8, v13;
	_ =	sdelay $0x1  }
0x29b: {  	v12 =	vperm.xlane v12, v9;
	_ =	sdelay $0x1  }
0x29c: {  	v12 =	vadd.s32 v8, v12  }
0x29d: {  	[hbm4b:s1+s4] =	stream.indirect_vreg.scatter [tilespmem:s8], [sflag:$0x4], $0x80, v13, vm0, $0xb8;
	[tilespmem:$0x15900] =	vst v63  }
0x29e: {  	_ = 	snop  }
0x29f: {  	[hbm4b:s12+s4] =	stream.indirect_vreg.scatter [tilespmem:s14], [sflag:$0x4], $0x80, v13, vm0, $0xb8;
	[tilespmem:$0x15900] =	vst v63  }
0x2a0: {  	_ = 	snop  }
0x2a1: {  	[hbm4b:s1+s4] =	stream.indirect_vreg.scatter [tilespmem:s15], [sflag:$0x4], $0x80, v12, vm0, $0xb8;
	[tilespmem:$0x15900] =	vst v63  }
0x2a2: {  	_ = 	snop  }
0x2a3: {  	[hbm4b:s12+s4] =	stream.indirect_vreg.scatter [tilespmem:s16], [sflag:$0x4], $0x80, v12, vm0, $0xb8;
	[tilespmem:$0x15900] =	vst v63  }
0x2a4: {  	v12 =	vld [tilespmem:$0x15830];
	_ =	sdelay $0x4  }
0x2a5: {  	v62 =	vshll.u32 v12, $0x2  }
0x2a6: {  	v12 =	vand.u32 $0x7, v12;
	v13 =	vand.u32 $0xFFFFFFE0, v62  }
0x2a7: {  	v12 =	vor.u32 v12, v13  }
0x2a8: {  	v13 =	vperm.xlane v12, v7;
	_ =	sdelay $0x1  }
0x2a9: {  	v13 =	vadd.s32 v8, v13;
	_ =	sdelay $0x1  }
0x2aa: {  	v12 =	vperm.xlane v12, v9;
	_ =	sdelay $0x1  }
0x2ab: {  	v12 =	vadd.s32 v8, v12  }
0x2ac: {  	[hbm4b:s1+s4] =	stream.indirect_vreg.scatter [tilespmem:s17], [sflag:$0x4], $0x80, v13, vm0, $0xb8;
	[tilespmem:$0x15900] =	vst v63  }
0x2ad: {  	_ = 	snop  }
0x2ae: {  	[hbm4b:s12+s4] =	stream.indirect_vreg.scatter [tilespmem:s18], [sflag:$0x4], $0x80, v13, vm0, $0xb8;
	[tilespmem:$0x15900] =	vst v63  }
0x2af: {  	_ = 	snop  }
0x2b0: {  	[hbm4b:s1+s4] =	stream.indirect_vreg.scatter [tilespmem:s19], [sflag:$0x4], $0x80, v12, vm0, $0xb8;
	[tilespmem:$0x15900] =	vst v63  }
0x2b1: {  	_ = 	snop  }
0x2b2: {  	[hbm4b:s12+s4] =	stream.indirect_vreg.scatter [tilespmem:s20], [sflag:$0x4], $0x80, v12, vm0, $0xb8;
	[tilespmem:$0x15900] =	vst v63  }
0x2b3: {  	v12 =	vld.msk [tilespmem:$0x15840], $0x1ff;
	_ =	sdelay $0x4  }
0x2b4: {  	v63 =	vshll.u32 v12, $0x2  }
0x2b5: {  	v12 =	vand.u32 $0x7, v12;
	v13 =	vand.u32 $0xFFFFFFE0, v63  }
0x2b6: {  	v12 =	vor.u32 v12, v13  }
0x2b7: {  	v13 =	vperm.xlane v12, v7;
	_ =	sdelay $0x1  }
0x2b8: {  	v13 =	vadd.s32 v8, v13;
	_ =	sdelay $0x1  }
0x2b9: {  	v12 =	vperm.xlane v12, v9;
	_ =	sdelay $0x1  }
0x2ba: {  	v12 =	vadd.s32 v8, v12  }
0x2bb: {  	[hbm4b:s1+s4] =	stream.indirect_vreg.scatter [tilespmem:s21], [sflag:$0x4], $0x80, v13, vm0, $0xb8;
	[tilespmem:$0x15900] =	vst v63  }
0x2bc: {  	_ = 	snop  }
0x2bd: {  	[hbm4b:s12+s4] =	stream.indirect_vreg.scatter [tilespmem:s11], [sflag:$0x4], $0x80, v13, vm0, $0xb8;
	[tilespmem:$0x15900] =	vst v63  }
0x2be: {  	_ = 	snop  }
0x2bf: {  	[hbm4b:s1+s4] =	stream.indirect_vreg.scatter [tilespmem:s22], [sflag:$0x4], $0x80, v12, vm1, $0xb8;
	[tilespmem:$0x15900] =	vst v63  }
0x2c0: {  	_ = 	snop  }
0x2c1: {  	[hbm4b:s12+s4] =	stream.indirect_vreg.scatter [tilespmem:s23], [sflag:$0x4], $0x80, v12, vm1, $0xb8;
	[tilespmem:$0x15900] =	vst v63  }
0x2c2: {  	s12 =	simm.s32 $0x4  }
0x2c3: {  	_ =	swait.ge [sflag:s12], $0x9200  }
0x2c4: {  	[sflag:s12] =	ssyncset.done $0x0  }
0x2c5: {  	[sflag:s12] =	ssyncadd.s32 $0xFFFF6E00  }
0x2c6: {  	_ =	swait.ge [sflag:s24], $0x800  }
0x2c7: {  	s0 =	rddreg [dreg:$0xa]  }
0x2c8: {  	s12 =	rddreg [dreg:$0x9];
	s1 =	sadd.s32 $0x1, s0  }
0x2c9: {  	p0 =	sne.s32 s1, s12  }
.Ltmp1:
0x2ca: {  	_ = 	snop;
	(pc) =	sbr.rel @p0 .LBB2_1-.Ltmp1, $3  }
0x2cb: {  	_ =	sdelay $0x1  }
0x2cc: {  	[sflag:s24] =	ssyncset.done $0x0  }
0x2cd: {  	s2 =	simm.s32 $0x1000;
	[sflag:s24] =	ssyncadd.s32 $0xFFFFF800  }
0x2ce: {  	_ =	sfence.sel $0x180000  }
0x2cf: {  	[bflag:$0x0] =	sbarrier.arrive $0xFFFF  }
0x2d0: {  	_ =	strace $0x90000047  }
0x2d1: {  	s0 =	stileid.u32;
	[bflag:$0x2] =	sbarrier.arrive $0xFFFF  }
0x2d2: {  	p0 =	sne.s32 s0, $0x0;
	s0 =	rddreg [dreg:$0x4]  }
0x2d3: {  	s0 =	sadd.s32 @!p0 $0x100000, s0  }
0x2d4: {  	[sflag:s0] =	ssyncadd.tile.s32 @!p0 $0x1;
	_ =	shalt  }
.Lfunc_end2:
_tile_overlayer_lowered:
.L_overlay_start_2:
0x2d5: {  	(tag) =	ssettag $0x2  }
0x2d6: {  	s0 =	rddreg [dreg:$0x0];
	s2 =	stileid.u32  }
0x2d7: {  	s1 =	rddreg [dreg:$0x1];
	p0 =	sne.s32 s2, $0x0  }
0x2d8: {  	s3 =	rddreg [dreg:$0x2];
	[bflag:$0x3] =	sbarrier.arrive $0xFFFF;
	s2 =	simm.s32 @!p0 $0x1C06  }
0x2d9: {  	[timem:s3], [sflag:s2] =	dma.local @!p0 [hbm:s0], s1  }
0x2da: {  	s0 =	simm.s32 @!p0 $0x6  }
0x2db: {  	_ =	swait.ge @!p0 [sflag:s0], s1  }
0x2dc: {  	s1 =	ssub.s32 @!p0 $0x0, s1;
	[sflag:s0] =	ssyncset.done @!p0 $0x0  }
0x2dd: {  	[sflag:s0] =	ssyncadd.s32 @!p0 s1  }
0x2de: {  	[bflag:$0x3] =	sbarrier.arrive $0xFFFF  }
0x2df: {  	_ =	shalt  }

</sc_bundles>
